<compile_context>
chip_gen: v7x
topology: tpu7x:2x2x1
jax: 0.10.2.dev20260603
libtpu: 0.0.44.dev20260713+nightly
codegen_flags: <defaults>
</compile_context>

<pallas_src>
import functools

import jax
import jax.numpy as jnp
from jax import lax
from jax.experimental import pallas as pl
from jax.experimental.pallas import tpu as pltpu
from jax.experimental.pallas import tpu_sc as plsc

W = 512
H = 512
B = 20000
NC = 2
NS = 16
NW = NC * NS
ROWS_PER_W = W // NW
BAND = ROWS_PER_W * H
GROUPS = B // 16


def _body(cols_hbm, out_hbm, x_v, y_v, w_v, h_v, ids_v, c0_v, c1_v, c2_v,
          semx, semy, semw, semh):
    wid = lax.axis_index("s") * NC + lax.axis_index("c")
    row_lo = wid * ROWS_PER_W
    x_lo = wid.astype(jnp.float32) * jnp.float32(1.0 / NW)
    x_hi = (wid + 1).astype(jnp.float32) * jnp.float32(1.0 / NW)

    cpx = pltpu.async_copy(cols_hbm.at[pl.ds(0 * B, B)], x_v, semx)
    cpy = pltpu.async_copy(cols_hbm.at[pl.ds(1 * B, B)], y_v, semy)
    cpw = pltpu.async_copy(cols_hbm.at[pl.ds(2 * B, B)], w_v, semw)
    cph = pltpu.async_copy(cols_hbm.at[pl.ds(3 * B, B)], h_v, semh)

    def _zero(i, _):
        z = jnp.zeros((16,), jnp.float32)
        c0_v[pl.ds(i * 16, 16)] = z
        c1_v[pl.ds(i * 16, 16)] = z
        c2_v[pl.ds(i * 16, 16)] = z
        return _
    lax.fori_loop(0, BAND // 16, _zero, None, unroll=8)

    lane = lax.iota(jnp.int32, 16)
    ones = jnp.ones((16,), jnp.float32)

    cpx.wait()

    def _p1(g, cnt):
        xv = x_v[pl.ds(g * 16, 16)]
        m = (xv >= x_lo) & (xv < x_hi)
        plsc.store_compressed(ids_v.at[pl.ds(cnt, 16)], g * 16 + lane, mask=m)
        return cnt + plsc.all_reduce_population_count(m)[0]
    cnt = lax.fori_loop(0, GROUPS, _p1, jnp.int32(0), unroll=8)

    cpy.wait()
    cpw.wait()
    cph.wait()

    def _p2(g, _):
        base = g * 16
        idv = ids_v[pl.ds(base, 16)]
        m2 = (base + lane) < cnt
        idv = jnp.where(m2, idv, 0)
        x = plsc.load_gather(x_v, [idv])
        y = plsc.load_gather(y_v, [idv])
        wv = plsc.load_gather(w_v, [idv])
        hv = plsc.load_gather(h_v, [idv])
        x0 = (x * jnp.float32(W)).astype(jnp.int32)
        y0 = (y * jnp.float32(H)).astype(jnp.int32)
        li = (x0 - row_lo) * H + y0
        li = jnp.where(m2, li, 0)
        plsc.store_scatter(c0_v, [li], ones, mask=m2)
        plsc.store_scatter(c1_v, [li], wv, mask=m2)
        plsc.store_scatter(c2_v, [li], hv, mask=m2)
        return _
    lax.fori_loop(0, (cnt + 15) >> 4, _p2, None)

    pltpu.sync_copy(c0_v, out_hbm.at[pl.ds(0 * W * H + wid * BAND, BAND)])
    pltpu.sync_copy(c1_v, out_hbm.at[pl.ds(1 * W * H + wid * BAND, BAND)])
    pltpu.sync_copy(c2_v, out_hbm.at[pl.ds(2 * W * H + wid * BAND, BAND)])


@jax.jit
def _heatmap(cols):
    mesh = plsc.VectorSubcoreMesh(core_axis_name="c", subcore_axis_name="s")
    run = functools.partial(
        pl.kernel,
        mesh=mesh,
        compiler_params=pltpu.CompilerParams(needs_layout_passes=False),
        out_type=jax.ShapeDtypeStruct((3 * W * H,), jnp.float32),
        scratch_types=[
            pltpu.VMEM((B,), jnp.float32),
            pltpu.VMEM((B,), jnp.float32),
            pltpu.VMEM((B,), jnp.float32),
            pltpu.VMEM((B,), jnp.float32),
            pltpu.VMEM((B + 16,), jnp.int32),
            pltpu.VMEM((BAND,), jnp.float32),
            pltpu.VMEM((BAND,), jnp.float32),
            pltpu.VMEM((BAND,), jnp.float32),
            pltpu.SemaphoreType.DMA,
            pltpu.SemaphoreType.DMA,
            pltpu.SemaphoreType.DMA,
            pltpu.SemaphoreType.DMA,
        ],
    )(_body)
    return run(cols)


def kernel(boxes):
    cols = boxes.T.reshape(-1)
    return _heatmap(cols).reshape(1, 3, W, H)

# --- scband reference (transcript-rebuilt; emitter-appended) ---
"""Pipeline reference for scband-center-heat-map-81277961109830 (READ-ONLY COPY).

The authoritative reference and input builder live on the scoring server;
editing this copy changes nothing except your own understanding.
"""

import jax, jax.numpy as jnp
import numpy as np

W = 512
H = 512


def setup_inputs(seed: int = 0) -> dict:
    key = jax.random.key(seed)
    boxes = jax.random.uniform(key, (20000, 4), dtype=jnp.float32)
    return {"boxes": boxes}


def reference(boxes):
    # img = torch.zeros((1, 3, w, h))
    img = jnp.zeros((1, 3, W, H), dtype=jnp.float32)
    b = boxes.shape[0]
    if b == 0:
        return img
    # x0 = (boxes[:,0] * w).long(); y0 = (boxes[:,1] * h).long()
    x0 = (boxes[:, 0] * W).astype(jnp.int32)
    y0 = (boxes[:, 1] * H).astype(jnp.int32)
    # scatter-overwrite (advanced-index assignment in torch -> .at[...].set in jax)
    img = img.at[0, 0, x0, y0].set(1.0)
    img = img.at[0, 1, x0, y0].set(boxes[:, 2])
    img = img.at[0, 2, x0, y0].set(boxes[:, 3])
    return img

if __name__ == "__main__":
    import jax
    _d = setup_inputs()
    print(jax.jit(kernel)(*tuple(_d.values())))

</pallas_src>

<mosaic_0001>
#map = affine_map<(d0, d1) -> (0)>
module attributes {stable_mosaic.version = 14 : i64} {
  func.func @_body(%arg0: i32, %arg1: i32, %arg2: memref<80000xf32, #tpu.memory_space<hbm>>, %arg3: memref<786432xf32, #tpu.memory_space<hbm>>, %arg4: memref<20000xf32, #tpu.memory_space<vmem>>, %arg5: memref<20000xf32, #tpu.memory_space<vmem>>, %arg6: memref<20000xf32, #tpu.memory_space<vmem>>, %arg7: memref<20000xf32, #tpu.memory_space<vmem>>, %arg8: memref<20016xi32, #tpu.memory_space<vmem>>, %arg9: memref<8192xf32, #tpu.memory_space<vmem>>, %arg10: memref<8192xf32, #tpu.memory_space<vmem>>, %arg11: memref<8192xf32, #tpu.memory_space<vmem>>, %arg12: memref<!tpu.dma_semaphore, #tpu.memory_space<semaphore_mem>>, %arg13: memref<!tpu.dma_semaphore, #tpu.memory_space<semaphore_mem>>, %arg14: memref<!tpu.dma_semaphore, #tpu.memory_space<semaphore_mem>>, %arg15: memref<!tpu.dma_semaphore, #tpu.memory_space<semaphore_mem>>) attributes {dimension_semantics = [#tpu.dimension_semantics<core_parallel>, #tpu.dimension_semantics<subcore_parallel>], iteration_bounds = array<i64: 2, 16>, scalar_prefetch = 0 : i64, scratch_operands = 12 : i64, tpu.core_type = #tpu.core_type<sc_vector_subcore>, window_params = [{transform_indices = #map}, {transform_indices = #map}]} {
    %mul3A = arith.constant 2 : i32
    %mul3A_0 = arith.muli %arg1, %mul3A : i32
    %add3A = arith.addi %mul3A_0, %arg0 : i32
    %mul3A_1 = arith.constant 16 : i32
    %mul3A_2 = arith.muli %add3A, %mul3A_1 : i32
    %convert_element_type3A = arith.sitofp %add3A : i32 to f32
    %mul3A_3 = arith.constant 3.125000e-02 : f32
    %mul3A_4 = arith.mulf %convert_element_type3A, %mul3A_3 : f32
    %add3A_5 = arith.constant 1 : i32
    %add3A_6 = arith.addi %add3A, %add3A_5 : i32
    %convert_element_type3A_7 = arith.sitofp %add3A_6 : i32 to f32
    %mul3A_8 = arith.constant 3.125000e-02 : f32
    %mul3A_9 = arith.mulf %convert_element_type3A_7, %mul3A_8 : f32
    %dma_start3A = arith.constant 0 : i32
    %dma_start3A_10 = tpu.memref_slice %arg2[%dma_start3A] : memref<80000xf32, #tpu.memory_space<hbm>> -> memref<20000xf32, #tpu.memory_space<hbm>>
    %dma_start3A_11 = arith.constant 0 : i32
    %dma_start3A_12 = tpu.memref_slice %arg2[%dma_start3A_11] : memref<80000xf32, #tpu.memory_space<hbm>> -> memref<20000xf32, #tpu.memory_space<hbm>>
    tpu.enqueue_dma source(%dma_start3A_12 : memref<20000xf32, #tpu.memory_space<hbm>>) target(%arg4 : memref<20000xf32, #tpu.memory_space<vmem>>) target_semaphore(%arg12 : memref<!tpu.dma_semaphore, #tpu.memory_space<semaphore_mem>>)
    %dma_start3A_13 = arith.constant 20000 : i32
    %dma_start3A_14 = tpu.memref_slice %arg2[%dma_start3A_13] : memref<80000xf32, #tpu.memory_space<hbm>> -> memref<20000xf32, #tpu.memory_space<hbm>>
    %dma_start3A_15 = arith.constant 20000 : i32
    %dma_start3A_16 = tpu.memref_slice %arg2[%dma_start3A_15] : memref<80000xf32, #tpu.memory_space<hbm>> -> memref<20000xf32, #tpu.memory_space<hbm>>
    tpu.enqueue_dma source(%dma_start3A_16 : memref<20000xf32, #tpu.memory_space<hbm>>) target(%arg5 : memref<20000xf32, #tpu.memory_space<vmem>>) target_semaphore(%arg13 : memref<!tpu.dma_semaphore, #tpu.memory_space<semaphore_mem>>)
    %dma_start3A_17 = arith.constant 40000 : i32
    %dma_start3A_18 = tpu.memref_slice %arg2[%dma_start3A_17] : memref<80000xf32, #tpu.memory_space<hbm>> -> memref<20000xf32, #tpu.memory_space<hbm>>
    %dma_start3A_19 = arith.constant 40000 : i32
    %dma_start3A_20 = tpu.memref_slice %arg2[%dma_start3A_19] : memref<80000xf32, #tpu.memory_space<hbm>> -> memref<20000xf32, #tpu.memory_space<hbm>>
    tpu.enqueue_dma source(%dma_start3A_20 : memref<20000xf32, #tpu.memory_space<hbm>>) target(%arg6 : memref<20000xf32, #tpu.memory_space<vmem>>) target_semaphore(%arg14 : memref<!tpu.dma_semaphore, #tpu.memory_space<semaphore_mem>>)
    %dma_start3A_21 = arith.constant 60000 : i32
    %dma_start3A_22 = tpu.memref_slice %arg2[%dma_start3A_21] : memref<80000xf32, #tpu.memory_space<hbm>> -> memref<20000xf32, #tpu.memory_space<hbm>>
    %dma_start3A_23 = arith.constant 60000 : i32
    %dma_start3A_24 = tpu.memref_slice %arg2[%dma_start3A_23] : memref<80000xf32, #tpu.memory_space<hbm>> -> memref<20000xf32, #tpu.memory_space<hbm>>
    tpu.enqueue_dma source(%dma_start3A_24 : memref<20000xf32, #tpu.memory_space<hbm>>) target(%arg7 : memref<20000xf32, #tpu.memory_space<vmem>>) target_semaphore(%arg15 : memref<!tpu.dma_semaphore, #tpu.memory_space<semaphore_mem>>)
    %scan3A = arith.constant 0 : i32
    %scan3A_25 = arith.constant 512 : i32
    %scan3A_26 = arith.addi %scan3A, %scan3A_25 : i32
    %scan3A_27 = arith.constant 8 : i32
    scf.for %scan3A_109 = %scan3A to %scan3A_26 step %scan3A_27  : i32 {
      %broadcast_in_dim3A_110 = arith.constant 0.000000e+00 : f32
      %broadcast_in_dim3A_111 = vector.broadcast %broadcast_in_dim3A_110 : f32 to vector<16xf32>
      %mul3A_112 = arith.constant 16 : i32
      %mul3A_113 = arith.muli %scan3A_109, %mul3A_112 : i32
      %swap3A_114 = arith.index_cast %mul3A_113 : i32 to index
      %swap3A_115 = tpu.vector_load %arg9[%swap3A_114] {strides = array<i32>} : memref<8192xf32, #tpu.memory_space<vmem>>, vector<16xf32>,
      tpu.vector_store %arg9[%swap3A_114], %broadcast_in_dim3A_111 {strides = array<i32>} : memref<8192xf32, #tpu.memory_space<vmem>>, vector<16xf32>,
      %mul3A_116 = arith.constant 16 : i32
      %mul3A_117 = arith.muli %scan3A_109, %mul3A_116 : i32
      %swap3A_118 = arith.index_cast %mul3A_117 : i32 to index
      %swap3A_119 = tpu.vector_load %arg10[%swap3A_118] {strides = array<i32>} : memref<8192xf32, #tpu.memory_space<vmem>>, vector<16xf32>,
      tpu.vector_store %arg10[%swap3A_118], %broadcast_in_dim3A_111 {strides = array<i32>} : memref<8192xf32, #tpu.memory_space<vmem>>, vector<16xf32>,
      %mul3A_120 = arith.constant 16 : i32
      %mul3A_121 = arith.muli %scan3A_109, %mul3A_120 : i32
      %swap3A_122 = arith.index_cast %mul3A_121 : i32 to index
      %swap3A_123 = tpu.vector_load %arg11[%swap3A_122] {strides = array<i32>} : memref<8192xf32, #tpu.memory_space<vmem>>, vector<16xf32>,
      tpu.vector_store %arg11[%swap3A_122], %broadcast_in_dim3A_111 {strides = array<i32>} : memref<8192xf32, #tpu.memory_space<vmem>>, vector<16xf32>,
      %scan3A_124 = arith.constant 1 : i32
      %scan3A_125 = arith.addi %scan3A_109, %scan3A_124 : i32
      %broadcast_in_dim3A_126 = arith.constant 0.000000e+00 : f32
      %broadcast_in_dim3A_127 = vector.broadcast %broadcast_in_dim3A_126 : f32 to vector<16xf32>
      %mul3A_128 = arith.constant 16 : i32
      %mul3A_129 = arith.muli %scan3A_125, %mul3A_128 : i32
      %swap3A_130 = arith.index_cast %mul3A_129 : i32 to index
      %swap3A_131 = tpu.vector_load %arg9[%swap3A_130] {strides = array<i32>} : memref<8192xf32, #tpu.memory_space<vmem>>, vector<16xf32>,
      tpu.vector_store %arg9[%swap3A_130], %broadcast_in_dim3A_127 {strides = array<i32>} : memref<8192xf32, #tpu.memory_space<vmem>>, vector<16xf32>,
      %mul3A_132 = arith.constant 16 : i32
      %mul3A_133 = arith.muli %scan3A_125, %mul3A_132 : i32
      %swap3A_134 = arith.index_cast %mul3A_133 : i32 to index
      %swap3A_135 = tpu.vector_load %arg10[%swap3A_134] {strides = array<i32>} : memref<8192xf32, #tpu.memory_space<vmem>>, vector<16xf32>,
      tpu.vector_store %arg10[%swap3A_134], %broadcast_in_dim3A_127 {strides = array<i32>} : memref<8192xf32, #tpu.memory_space<vmem>>, vector<16xf32>,
      %mul3A_136 = arith.constant 16 : i32
      %mul3A_137 = arith.muli %scan3A_125, %mul3A_136 : i32
      %swap3A_138 = arith.index_cast %mul3A_137 : i32 to index
      %swap3A_139 = tpu.vector_load %arg11[%swap3A_138] {strides = array<i32>} : memref<8192xf32, #tpu.memory_space<vmem>>, vector<16xf32>,
      tpu.vector_store %arg11[%swap3A_138], %broadcast_in_dim3A_127 {strides = array<i32>} : memref<8192xf32, #tpu.memory_space<vmem>>, vector<16xf32>,
      %scan3A_140 = arith.constant 2 : i32
      %scan3A_141 = arith.addi %scan3A_109, %scan3A_140 : i32
      %broadcast_in_dim3A_142 = arith.constant 0.000000e+00 : f32
      %broadcast_in_dim3A_143 = vector.broadcast %broadcast_in_dim3A_142 : f32 to vector<16xf32>
      %mul3A_144 = arith.constant 16 : i32
      %mul3A_145 = arith.muli %scan3A_141, %mul3A_144 : i32
      %swap3A_146 = arith.index_cast %mul3A_145 : i32 to index
      %swap3A_147 = tpu.vector_load %arg9[%swap3A_146] {strides = array<i32>} : memref<8192xf32, #tpu.memory_space<vmem>>, vector<16xf32>,
      tpu.vector_store %arg9[%swap3A_146], %broadcast_in_dim3A_143 {strides = array<i32>} : memref<8192xf32, #tpu.memory_space<vmem>>, vector<16xf32>,
      %mul3A_148 = arith.constant 16 : i32
      %mul3A_149 = arith.muli %scan3A_141, %mul3A_148 : i32
      %swap3A_150 = arith.index_cast %mul3A_149 : i32 to index
      %swap3A_151 = tpu.vector_load %arg10[%swap3A_150] {strides = array<i32>} : memref<8192xf32, #tpu.memory_space<vmem>>, vector<16xf32>,
      tpu.vector_store %arg10[%swap3A_150], %broadcast_in_dim3A_143 {strides = array<i32>} : memref<8192xf32, #tpu.memory_space<vmem>>, vector<16xf32>,
      %mul3A_152 = arith.constant 16 : i32
      %mul3A_153 = arith.muli %scan3A_141, %mul3A_152 : i32
      %swap3A_154 = arith.index_cast %mul3A_153 : i32 to index
      %swap3A_155 = tpu.vector_load %arg11[%swap3A_154] {strides = array<i32>} : memref<8192xf32, #tpu.memory_space<vmem>>, vector<16xf32>,
      tpu.vector_store %arg11[%swap3A_154], %broadcast_in_dim3A_143 {strides = array<i32>} : memref<8192xf32, #tpu.memory_space<vmem>>, vector<16xf32>,
      %scan3A_156 = arith.constant 3 : i32
      %scan3A_157 = arith.addi %scan3A_109, %scan3A_156 : i32
      %broadcast_in_dim3A_158 = arith.constant 0.000000e+00 : f32
      %broadcast_in_dim3A_159 = vector.broadcast %broadcast_in_dim3A_158 : f32 to vector<16xf32>
      %mul3A_160 = arith.constant 16 : i32
      %mul3A_161 = arith.muli %scan3A_157, %mul3A_160 : i32
      %swap3A_162 = arith.index_cast %mul3A_161 : i32 to index
      %swap3A_163 = tpu.vector_load %arg9[%swap3A_162] {strides = array<i32>} : memref<8192xf32, #tpu.memory_space<vmem>>, vector<16xf32>,
      tpu.vector_store %arg9[%swap3A_162], %broadcast_in_dim3A_159 {strides = array<i32>} : memref<8192xf32, #tpu.memory_space<vmem>>, vector<16xf32>,
      %mul3A_164 = arith.constant 16 : i32
      %mul3A_165 = arith.muli %scan3A_157, %mul3A_164 : i32
      %swap3A_166 = arith.index_cast %mul3A_165 : i32 to index
      %swap3A_167 = tpu.vector_load %arg10[%swap3A_166] {strides = array<i32>} : memref<8192xf32, #tpu.memory_space<vmem>>, vector<16xf32>,
      tpu.vector_store %arg10[%swap3A_166], %broadcast_in_dim3A_159 {strides = array<i32>} : memref<8192xf32, #tpu.memory_space<vmem>>, vector<16xf32>,
      %mul3A_168 = arith.constant 16 : i32
      %mul3A_169 = arith.muli %scan3A_157, %mul3A_168 : i32
      %swap3A_170 = arith.index_cast %mul3A_169 : i32 to index
      %swap3A_171 = tpu.vector_load %arg11[%swap3A_170] {strides = array<i32>} : memref<8192xf32, #tpu.memory_space<vmem>>, vector<16xf32>,
      tpu.vector_store %arg11[%swap3A_170], %broadcast_in_dim3A_159 {strides = array<i32>} : memref<8192xf32, #tpu.memory_space<vmem>>, vector<16xf32>,
      %scan3A_172 = arith.constant 4 : i32
      %scan3A_173 = arith.addi %scan3A_109, %scan3A_172 : i32
      %broadcast_in_dim3A_174 = arith.constant 0.000000e+00 : f32
      %broadcast_in_dim3A_175 = vector.broadcast %broadcast_in_dim3A_174 : f32 to vector<16xf32>
      %mul3A_176 = arith.constant 16 : i32
      %mul3A_177 = arith.muli %scan3A_173, %mul3A_176 : i32
      %swap3A_178 = arith.index_cast %mul3A_177 : i32 to index
      %swap3A_179 = tpu.vector_load %arg9[%swap3A_178] {strides = array<i32>} : memref<8192xf32, #tpu.memory_space<vmem>>, vector<16xf32>,
      tpu.vector_store %arg9[%swap3A_178], %broadcast_in_dim3A_175 {strides = array<i32>} : memref<8192xf32, #tpu.memory_space<vmem>>, vector<16xf32>,
      %mul3A_180 = arith.constant 16 : i32
      %mul3A_181 = arith.muli %scan3A_173, %mul3A_180 : i32
      %swap3A_182 = arith.index_cast %mul3A_181 : i32 to index
      %swap3A_183 = tpu.vector_load %arg10[%swap3A_182] {strides = array<i32>} : memref<8192xf32, #tpu.memory_space<vmem>>, vector<16xf32>,
      tpu.vector_store %arg10[%swap3A_182], %broadcast_in_dim3A_175 {strides = array<i32>} : memref<8192xf32, #tpu.memory_space<vmem>>, vector<16xf32>,
      %mul3A_184 = arith.constant 16 : i32
      %mul3A_185 = arith.muli %scan3A_173, %mul3A_184 : i32
      %swap3A_186 = arith.index_cast %mul3A_185 : i32 to index
      %swap3A_187 = tpu.vector_load %arg11[%swap3A_186] {strides = array<i32>} : memref<8192xf32, #tpu.memory_space<vmem>>, vector<16xf32>,
      tpu.vector_store %arg11[%swap3A_186], %broadcast_in_dim3A_175 {strides = array<i32>} : memref<8192xf32, #tpu.memory_space<vmem>>, vector<16xf32>,
      %scan3A_188 = arith.constant 5 : i32
      %scan3A_189 = arith.addi %scan3A_109, %scan3A_188 : i32
      %broadcast_in_dim3A_190 = arith.constant 0.000000e+00 : f32
      %broadcast_in_dim3A_191 = vector.broadcast %broadcast_in_dim3A_190 : f32 to vector<16xf32>
      %mul3A_192 = arith.constant 16 : i32
      %mul3A_193 = arith.muli %scan3A_189, %mul3A_192 : i32
      %swap3A_194 = arith.index_cast %mul3A_193 : i32 to index
      %swap3A_195 = tpu.vector_load %arg9[%swap3A_194] {strides = array<i32>} : memref<8192xf32, #tpu.memory_space<vmem>>, vector<16xf32>,
      tpu.vector_store %arg9[%swap3A_194], %broadcast_in_dim3A_191 {strides = array<i32>} : memref<8192xf32, #tpu.memory_space<vmem>>, vector<16xf32>,
      %mul3A_196 = arith.constant 16 : i32
      %mul3A_197 = arith.muli %scan3A_189, %mul3A_196 : i32
      %swap3A_198 = arith.index_cast %mul3A_197 : i32 to index
      %swap3A_199 = tpu.vector_load %arg10[%swap3A_198] {strides = array<i32>} : memref<8192xf32, #tpu.memory_space<vmem>>, vector<16xf32>,
      tpu.vector_store %arg10[%swap3A_198], %broadcast_in_dim3A_191 {strides = array<i32>} : memref<8192xf32, #tpu.memory_space<vmem>>, vector<16xf32>,
      %mul3A_200 = arith.constant 16 : i32
      %mul3A_201 = arith.muli %scan3A_189, %mul3A_200 : i32
      %swap3A_202 = arith.index_cast %mul3A_201 : i32 to index
      %swap3A_203 = tpu.vector_load %arg11[%swap3A_202] {strides = array<i32>} : memref<8192xf32, #tpu.memory_space<vmem>>, vector<16xf32>,
      tpu.vector_store %arg11[%swap3A_202], %broadcast_in_dim3A_191 {strides = array<i32>} : memref<8192xf32, #tpu.memory_space<vmem>>, vector<16xf32>,
      %scan3A_204 = arith.constant 6 : i32
      %scan3A_205 = arith.addi %scan3A_109, %scan3A_204 : i32
      %broadcast_in_dim3A_206 = arith.constant 0.000000e+00 : f32
      %broadcast_in_dim3A_207 = vector.broadcast %broadcast_in_dim3A_206 : f32 to vector<16xf32>
      %mul3A_208 = arith.constant 16 : i32
      %mul3A_209 = arith.muli %scan3A_205, %mul3A_208 : i32
      %swap3A_210 = arith.index_cast %mul3A_209 : i32 to index
      %swap3A_211 = tpu.vector_load %arg9[%swap3A_210] {strides = array<i32>} : memref<8192xf32, #tpu.memory_space<vmem>>, vector<16xf32>,
      tpu.vector_store %arg9[%swap3A_210], %broadcast_in_dim3A_207 {strides = array<i32>} : memref<8192xf32, #tpu.memory_space<vmem>>, vector<16xf32>,
      %mul3A_212 = arith.constant 16 : i32
      %mul3A_213 = arith.muli %scan3A_205, %mul3A_212 : i32
      %swap3A_214 = arith.index_cast %mul3A_213 : i32 to index
      %swap3A_215 = tpu.vector_load %arg10[%swap3A_214] {strides = array<i32>} : memref<8192xf32, #tpu.memory_space<vmem>>, vector<16xf32>,
      tpu.vector_store %arg10[%swap3A_214], %broadcast_in_dim3A_207 {strides = array<i32>} : memref<8192xf32, #tpu.memory_space<vmem>>, vector<16xf32>,
      %mul3A_216 = arith.constant 16 : i32
      %mul3A_217 = arith.muli %scan3A_205, %mul3A_216 : i32
      %swap3A_218 = arith.index_cast %mul3A_217 : i32 to index
      %swap3A_219 = tpu.vector_load %arg11[%swap3A_218] {strides = array<i32>} : memref<8192xf32, #tpu.memory_space<vmem>>, vector<16xf32>,
      tpu.vector_store %arg11[%swap3A_218], %broadcast_in_dim3A_207 {strides = array<i32>} : memref<8192xf32, #tpu.memory_space<vmem>>, vector<16xf32>,
      %scan3A_220 = arith.constant 7 : i32
      %scan3A_221 = arith.addi %scan3A_109, %scan3A_220 : i32
      %broadcast_in_dim3A_222 = arith.constant 0.000000e+00 : f32
      %broadcast_in_dim3A_223 = vector.broadcast %broadcast_in_dim3A_222 : f32 to vector<16xf32>
      %mul3A_224 = arith.constant 16 : i32
      %mul3A_225 = arith.muli %scan3A_221, %mul3A_224 : i32
      %swap3A_226 = arith.index_cast %mul3A_225 : i32 to index
      %swap3A_227 = tpu.vector_load %arg9[%swap3A_226] {strides = array<i32>} : memref<8192xf32, #tpu.memory_space<vmem>>, vector<16xf32>,
      tpu.vector_store %arg9[%swap3A_226], %broadcast_in_dim3A_223 {strides = array<i32>} : memref<8192xf32, #tpu.memory_space<vmem>>, vector<16xf32>,
      %mul3A_228 = arith.constant 16 : i32
      %mul3A_229 = arith.muli %scan3A_221, %mul3A_228 : i32
      %swap3A_230 = arith.index_cast %mul3A_229 : i32 to index
      %swap3A_231 = tpu.vector_load %arg10[%swap3A_230] {strides = array<i32>} : memref<8192xf32, #tpu.memory_space<vmem>>, vector<16xf32>,
      tpu.vector_store %arg10[%swap3A_230], %broadcast_in_dim3A_223 {strides = array<i32>} : memref<8192xf32, #tpu.memory_space<vmem>>, vector<16xf32>,
      %mul3A_232 = arith.constant 16 : i32
      %mul3A_233 = arith.muli %scan3A_221, %mul3A_232 : i32
      %swap3A_234 = arith.index_cast %mul3A_233 : i32 to index
      %swap3A_235 = tpu.vector_load %arg11[%swap3A_234] {strides = array<i32>} : memref<8192xf32, #tpu.memory_space<vmem>>, vector<16xf32>,
      tpu.vector_store %arg11[%swap3A_234], %broadcast_in_dim3A_223 {strides = array<i32>} : memref<8192xf32, #tpu.memory_space<vmem>>, vector<16xf32>,
    }
    %scan3A_28 = arith.constant 512 : i32
    %iota3A = tpu.iota {dimensions = array<i32: 0>} : vector<16xi32>
    %broadcast_in_dim3A = arith.constant 1.000000e+00 : f32
    %broadcast_in_dim3A_29 = vector.broadcast %broadcast_in_dim3A : f32 to vector<16xf32>
    %dma_wait3A = arith.constant 0 : i32
    %dma_wait3A_30 = tpu.memref_slice %arg2[%dma_wait3A] : memref<80000xf32, #tpu.memory_space<hbm>> -> memref<20000xf32, #tpu.memory_space<hbm>>
    %dma_wait3A_31 = arith.constant 0 : i32
    %dma_wait3A_32 = tpu.memref_slice %arg2[%dma_wait3A_31] : memref<80000xf32, #tpu.memory_space<hbm>> -> memref<20000xf32, #tpu.memory_space<hbm>>
    tpu.wait_dma2 semaphore(%arg12 : memref<!tpu.dma_semaphore, #tpu.memory_space<semaphore_mem>>) src(%dma_wait3A_32 : memref<20000xf32, #tpu.memory_space<hbm>>) dst(%arg4 : memref<20000xf32, #tpu.memory_space<vmem>>)
    %scan3A_33 = arith.constant 0 : i32
    %scan3A_34 = arith.constant 0 : i32
    %scan3A_35 = arith.constant 1248 : i32
    %scan3A_36 = arith.addi %scan3A_34, %scan3A_35 : i32
    %scan3A_37 = arith.constant 8 : i32
    %scan3A_38 = scf.for %scan3A_109 = %scan3A_34 to %scan3A_36 step %scan3A_37 iter_args(%scan3A_110 = %scan3A_33) -> (i32)  : i32 {
      %mul3A_111 = arith.constant 16 : i32
      %mul3A_112 = arith.muli %scan3A_109, %mul3A_111 : i32
      %get3A_113 = arith.index_cast %mul3A_112 : i32 to index
      %get3A_114 = tpu.vector_load %arg4[%get3A_113] {strides = array<i32>} : memref<20000xf32, #tpu.memory_space<vmem>>, vector<16xf32>,
      %ge3A_115 = vector.broadcast %mul3A_4 : f32 to vector<16xf32>
      %ge3A_116 = arith.cmpf oge, %get3A_114, %ge3A_115 : vector<16xf32>
      %lt3A_117 = vector.broadcast %mul3A_9 : f32 to vector<16xf32>
      %lt3A_118 = arith.cmpf olt, %get3A_114, %lt3A_117 : vector<16xf32>
      %and3A_119 = arith.andi %ge3A_116, %lt3A_118 : vector<16xi1>
      %mul3A_120 = arith.constant 16 : i32
      %mul3A_121 = arith.muli %scan3A_109, %mul3A_120 : i32
      %add3A_122 = vector.broadcast %mul3A_121 : i32 to vector<16xi32>
      %add3A_123 = arith.addi %add3A_122, %iota3A : vector<16xi32>
      %swap3A_124 = arith.index_cast %scan3A_110 : i32 to index
      %swap3A_125 = tpu.vector_load %arg8[%swap3A_124] masked %and3A_119 {strides = array<i32>} : memref<20016xi32, #tpu.memory_space<vmem>>, vector<16xi32>, vector<16xi1>
      tpu.vector_store %arg8[%swap3A_124], %add3A_123 masked %and3A_119 {strides = array<i32>} : memref<20016xi32, #tpu.memory_space<vmem>>, vector<16xi32>, vector<16xi1>
      %all_reduce_population_count3A_126 = tpu.all_reduce %and3A_119 {dim = 0 : i64, kind = #tpu.reduction_kind<sum>} : vector<16xi1> -> vector<16xi32>
      %slice3A_127 = vector.extract_strided_slice %all_reduce_population_count3A_126 {offsets = [0], sizes = [1], strides = [1]} : vector<16xi32> to vector<1xi32>
      %squeeze3A_128 = vector.extract %slice3A_127[0] : i32 from vector<1xi32>
      %add3A_129 = arith.addi %scan3A_110, %squeeze3A_128 : i32
      %scan3A_130 = arith.constant 1 : i32
      %scan3A_131 = arith.addi %scan3A_109, %scan3A_130 : i32
      %mul3A_132 = arith.constant 16 : i32
      %mul3A_133 = arith.muli %scan3A_131, %mul3A_132 : i32
      %get3A_134 = arith.index_cast %mul3A_133 : i32 to index
      %get3A_135 = tpu.vector_load %arg4[%get3A_134] {strides = array<i32>} : memref<20000xf32, #tpu.memory_space<vmem>>, vector<16xf32>,
      %ge3A_136 = vector.broadcast %mul3A_4 : f32 to vector<16xf32>
      %ge3A_137 = arith.cmpf oge, %get3A_135, %ge3A_136 : vector<16xf32>
      %lt3A_138 = vector.broadcast %mul3A_9 : f32 to vector<16xf32>
      %lt3A_139 = arith.cmpf olt, %get3A_135, %lt3A_138 : vector<16xf32>
      %and3A_140 = arith.andi %ge3A_137, %lt3A_139 : vector<16xi1>
      %mul3A_141 = arith.constant 16 : i32
      %mul3A_142 = arith.muli %scan3A_131, %mul3A_141 : i32
      %add3A_143 = vector.broadcast %mul3A_142 : i32 to vector<16xi32>
      %add3A_144 = arith.addi %add3A_143, %iota3A : vector<16xi32>
      %swap3A_145 = arith.index_cast %add3A_129 : i32 to index
      %swap3A_146 = tpu.vector_load %arg8[%swap3A_145] masked %and3A_140 {strides = array<i32>} : memref<20016xi32, #tpu.memory_space<vmem>>, vector<16xi32>, vector<16xi1>
      tpu.vector_store %arg8[%swap3A_145], %add3A_144 masked %and3A_140 {strides = array<i32>} : memref<20016xi32, #tpu.memory_space<vmem>>, vector<16xi32>, vector<16xi1>
      %all_reduce_population_count3A_147 = tpu.all_reduce %and3A_140 {dim = 0 : i64, kind = #tpu.reduction_kind<sum>} : vector<16xi1> -> vector<16xi32>
      %slice3A_148 = vector.extract_strided_slice %all_reduce_population_count3A_147 {offsets = [0], sizes = [1], strides = [1]} : vector<16xi32> to vector<1xi32>
      %squeeze3A_149 = vector.extract %slice3A_148[0] : i32 from vector<1xi32>
      %add3A_150 = arith.addi %add3A_129, %squeeze3A_149 : i32
      %scan3A_151 = arith.constant 2 : i32
      %scan3A_152 = arith.addi %scan3A_109, %scan3A_151 : i32
      %mul3A_153 = arith.constant 16 : i32
      %mul3A_154 = arith.muli %scan3A_152, %mul3A_153 : i32
      %get3A_155 = arith.index_cast %mul3A_154 : i32 to index
      %get3A_156 = tpu.vector_load %arg4[%get3A_155] {strides = array<i32>} : memref<20000xf32, #tpu.memory_space<vmem>>, vector<16xf32>,
      %ge3A_157 = vector.broadcast %mul3A_4 : f32 to vector<16xf32>
      %ge3A_158 = arith.cmpf oge, %get3A_156, %ge3A_157 : vector<16xf32>
      %lt3A_159 = vector.broadcast %mul3A_9 : f32 to vector<16xf32>
      %lt3A_160 = arith.cmpf olt, %get3A_156, %lt3A_159 : vector<16xf32>
      %and3A_161 = arith.andi %ge3A_158, %lt3A_160 : vector<16xi1>
      %mul3A_162 = arith.constant 16 : i32
      %mul3A_163 = arith.muli %scan3A_152, %mul3A_162 : i32
      %add3A_164 = vector.broadcast %mul3A_163 : i32 to vector<16xi32>
      %add3A_165 = arith.addi %add3A_164, %iota3A : vector<16xi32>
      %swap3A_166 = arith.index_cast %add3A_150 : i32 to index
      %swap3A_167 = tpu.vector_load %arg8[%swap3A_166] masked %and3A_161 {strides = array<i32>} : memref<20016xi32, #tpu.memory_space<vmem>>, vector<16xi32>, vector<16xi1>
      tpu.vector_store %arg8[%swap3A_166], %add3A_165 masked %and3A_161 {strides = array<i32>} : memref<20016xi32, #tpu.memory_space<vmem>>, vector<16xi32>, vector<16xi1>
      %all_reduce_population_count3A_168 = tpu.all_reduce %and3A_161 {dim = 0 : i64, kind = #tpu.reduction_kind<sum>} : vector<16xi1> -> vector<16xi32>
      %slice3A_169 = vector.extract_strided_slice %all_reduce_population_count3A_168 {offsets = [0], sizes = [1], strides = [1]} : vector<16xi32> to vector<1xi32>
      %squeeze3A_170 = vector.extract %slice3A_169[0] : i32 from vector<1xi32>
      %add3A_171 = arith.addi %add3A_150, %squeeze3A_170 : i32
      %scan3A_172 = arith.constant 3 : i32
      %scan3A_173 = arith.addi %scan3A_109, %scan3A_172 : i32
      %mul3A_174 = arith.constant 16 : i32
      %mul3A_175 = arith.muli %scan3A_173, %mul3A_174 : i32
      %get3A_176 = arith.index_cast %mul3A_175 : i32 to index
      %get3A_177 = tpu.vector_load %arg4[%get3A_176] {strides = array<i32>} : memref<20000xf32, #tpu.memory_space<vmem>>, vector<16xf32>,
      %ge3A_178 = vector.broadcast %mul3A_4 : f32 to vector<16xf32>
      %ge3A_179 = arith.cmpf oge, %get3A_177, %ge3A_178 : vector<16xf32>
      %lt3A_180 = vector.broadcast %mul3A_9 : f32 to vector<16xf32>
      %lt3A_181 = arith.cmpf olt, %get3A_177, %lt3A_180 : vector<16xf32>
      %and3A_182 = arith.andi %ge3A_179, %lt3A_181 : vector<16xi1>
      %mul3A_183 = arith.constant 16 : i32
      %mul3A_184 = arith.muli %scan3A_173, %mul3A_183 : i32
      %add3A_185 = vector.broadcast %mul3A_184 : i32 to vector<16xi32>
      %add3A_186 = arith.addi %add3A_185, %iota3A : vector<16xi32>
      %swap3A_187 = arith.index_cast %add3A_171 : i32 to index
      %swap3A_188 = tpu.vector_load %arg8[%swap3A_187] masked %and3A_182 {strides = array<i32>} : memref<20016xi32, #tpu.memory_space<vmem>>, vector<16xi32>, vector<16xi1>
      tpu.vector_store %arg8[%swap3A_187], %add3A_186 masked %and3A_182 {strides = array<i32>} : memref<20016xi32, #tpu.memory_space<vmem>>, vector<16xi32>, vector<16xi1>
      %all_reduce_population_count3A_189 = tpu.all_reduce %and3A_182 {dim = 0 : i64, kind = #tpu.reduction_kind<sum>} : vector<16xi1> -> vector<16xi32>
      %slice3A_190 = vector.extract_strided_slice %all_reduce_population_count3A_189 {offsets = [0], sizes = [1], strides = [1]} : vector<16xi32> to vector<1xi32>
      %squeeze3A_191 = vector.extract %slice3A_190[0] : i32 from vector<1xi32>
      %add3A_192 = arith.addi %add3A_171, %squeeze3A_191 : i32
      %scan3A_193 = arith.constant 4 : i32
      %scan3A_194 = arith.addi %scan3A_109, %scan3A_193 : i32
      %mul3A_195 = arith.constant 16 : i32
      %mul3A_196 = arith.muli %scan3A_194, %mul3A_195 : i32
      %get3A_197 = arith.index_cast %mul3A_196 : i32 to index
      %get3A_198 = tpu.vector_load %arg4[%get3A_197] {strides = array<i32>} : memref<20000xf32, #tpu.memory_space<vmem>>, vector<16xf32>,
      %ge3A_199 = vector.broadcast %mul3A_4 : f32 to vector<16xf32>
      %ge3A_200 = arith.cmpf oge, %get3A_198, %ge3A_199 : vector<16xf32>
      %lt3A_201 = vector.broadcast %mul3A_9 : f32 to vector<16xf32>
      %lt3A_202 = arith.cmpf olt, %get3A_198, %lt3A_201 : vector<16xf32>
      %and3A_203 = arith.andi %ge3A_200, %lt3A_202 : vector<16xi1>
      %mul3A_204 = arith.constant 16 : i32
      %mul3A_205 = arith.muli %scan3A_194, %mul3A_204 : i32
      %add3A_206 = vector.broadcast %mul3A_205 : i32 to vector<16xi32>
      %add3A_207 = arith.addi %add3A_206, %iota3A : vector<16xi32>
      %swap3A_208 = arith.index_cast %add3A_192 : i32 to index
      %swap3A_209 = tpu.vector_load %arg8[%swap3A_208] masked %and3A_203 {strides = array<i32>} : memref<20016xi32, #tpu.memory_space<vmem>>, vector<16xi32>, vector<16xi1>
      tpu.vector_store %arg8[%swap3A_208], %add3A_207 masked %and3A_203 {strides = array<i32>} : memref<20016xi32, #tpu.memory_space<vmem>>, vector<16xi32>, vector<16xi1>
      %all_reduce_population_count3A_210 = tpu.all_reduce %and3A_203 {dim = 0 : i64, kind = #tpu.reduction_kind<sum>} : vector<16xi1> -> vector<16xi32>
      %slice3A_211 = vector.extract_strided_slice %all_reduce_population_count3A_210 {offsets = [0], sizes = [1], strides = [1]} : vector<16xi32> to vector<1xi32>
      %squeeze3A_212 = vector.extract %slice3A_211[0] : i32 from vector<1xi32>
      %add3A_213 = arith.addi %add3A_192, %squeeze3A_212 : i32
      %scan3A_214 = arith.constant 5 : i32
      %scan3A_215 = arith.addi %scan3A_109, %scan3A_214 : i32
      %mul3A_216 = arith.constant 16 : i32
      %mul3A_217 = arith.muli %scan3A_215, %mul3A_216 : i32
      %get3A_218 = arith.index_cast %mul3A_217 : i32 to index
      %get3A_219 = tpu.vector_load %arg4[%get3A_218] {strides = array<i32>} : memref<20000xf32, #tpu.memory_space<vmem>>, vector<16xf32>,
      %ge3A_220 = vector.broadcast %mul3A_4 : f32 to vector<16xf32>
      %ge3A_221 = arith.cmpf oge, %get3A_219, %ge3A_220 : vector<16xf32>
      %lt3A_222 = vector.broadcast %mul3A_9 : f32 to vector<16xf32>
      %lt3A_223 = arith.cmpf olt, %get3A_219, %lt3A_222 : vector<16xf32>
      %and3A_224 = arith.andi %ge3A_221, %lt3A_223 : vector<16xi1>
      %mul3A_225 = arith.constant 16 : i32
      %mul3A_226 = arith.muli %scan3A_215, %mul3A_225 : i32
      %add3A_227 = vector.broadcast %mul3A_226 : i32 to vector<16xi32>
      %add3A_228 = arith.addi %add3A_227, %iota3A : vector<16xi32>
      %swap3A_229 = arith.index_cast %add3A_213 : i32 to index
      %swap3A_230 = tpu.vector_load %arg8[%swap3A_229] masked %and3A_224 {strides = array<i32>} : memref<20016xi32, #tpu.memory_space<vmem>>, vector<16xi32>, vector<16xi1>
      tpu.vector_store %arg8[%swap3A_229], %add3A_228 masked %and3A_224 {strides = array<i32>} : memref<20016xi32, #tpu.memory_space<vmem>>, vector<16xi32>, vector<16xi1>
      %all_reduce_population_count3A_231 = tpu.all_reduce %and3A_224 {dim = 0 : i64, kind = #tpu.reduction_kind<sum>} : vector<16xi1> -> vector<16xi32>
      %slice3A_232 = vector.extract_strided_slice %all_reduce_population_count3A_231 {offsets = [0], sizes = [1], strides = [1]} : vector<16xi32> to vector<1xi32>
      %squeeze3A_233 = vector.extract %slice3A_232[0] : i32 from vector<1xi32>
      %add3A_234 = arith.addi %add3A_213, %squeeze3A_233 : i32
      %scan3A_235 = arith.constant 6 : i32
      %scan3A_236 = arith.addi %scan3A_109, %scan3A_235 : i32
      %mul3A_237 = arith.constant 16 : i32
      %mul3A_238 = arith.muli %scan3A_236, %mul3A_237 : i32
      %get3A_239 = arith.index_cast %mul3A_238 : i32 to index
      %get3A_240 = tpu.vector_load %arg4[%get3A_239] {strides = array<i32>} : memref<20000xf32, #tpu.memory_space<vmem>>, vector<16xf32>,
      %ge3A_241 = vector.broadcast %mul3A_4 : f32 to vector<16xf32>
      %ge3A_242 = arith.cmpf oge, %get3A_240, %ge3A_241 : vector<16xf32>
      %lt3A_243 = vector.broadcast %mul3A_9 : f32 to vector<16xf32>
      %lt3A_244 = arith.cmpf olt, %get3A_240, %lt3A_243 : vector<16xf32>
      %and3A_245 = arith.andi %ge3A_242, %lt3A_244 : vector<16xi1>
      %mul3A_246 = arith.constant 16 : i32
      %mul3A_247 = arith.muli %scan3A_236, %mul3A_246 : i32
      %add3A_248 = vector.broadcast %mul3A_247 : i32 to vector<16xi32>
      %add3A_249 = arith.addi %add3A_248, %iota3A : vector<16xi32>
      %swap3A_250 = arith.index_cast %add3A_234 : i32 to index
      %swap3A_251 = tpu.vector_load %arg8[%swap3A_250] masked %and3A_245 {strides = array<i32>} : memref<20016xi32, #tpu.memory_space<vmem>>, vector<16xi32>, vector<16xi1>
      tpu.vector_store %arg8[%swap3A_250], %add3A_249 masked %and3A_245 {strides = array<i32>} : memref<20016xi32, #tpu.memory_space<vmem>>, vector<16xi32>, vector<16xi1>
      %all_reduce_population_count3A_252 = tpu.all_reduce %and3A_245 {dim = 0 : i64, kind = #tpu.reduction_kind<sum>} : vector<16xi1> -> vector<16xi32>
      %slice3A_253 = vector.extract_strided_slice %all_reduce_population_count3A_252 {offsets = [0], sizes = [1], strides = [1]} : vector<16xi32> to vector<1xi32>
      %squeeze3A_254 = vector.extract %slice3A_253[0] : i32 from vector<1xi32>
      %add3A_255 = arith.addi %add3A_234, %squeeze3A_254 : i32
      %scan3A_256 = arith.constant 7 : i32
      %scan3A_257 = arith.addi %scan3A_109, %scan3A_256 : i32
      %mul3A_258 = arith.constant 16 : i32
      %mul3A_259 = arith.muli %scan3A_257, %mul3A_258 : i32
      %get3A_260 = arith.index_cast %mul3A_259 : i32 to index
      %get3A_261 = tpu.vector_load %arg4[%get3A_260] {strides = array<i32>} : memref<20000xf32, #tpu.memory_space<vmem>>, vector<16xf32>,
      %ge3A_262 = vector.broadcast %mul3A_4 : f32 to vector<16xf32>
      %ge3A_263 = arith.cmpf oge, %get3A_261, %ge3A_262 : vector<16xf32>
      %lt3A_264 = vector.broadcast %mul3A_9 : f32 to vector<16xf32>
      %lt3A_265 = arith.cmpf olt, %get3A_261, %lt3A_264 : vector<16xf32>
      %and3A_266 = arith.andi %ge3A_263, %lt3A_265 : vector<16xi1>
      %mul3A_267 = arith.constant 16 : i32
      %mul3A_268 = arith.muli %scan3A_257, %mul3A_267 : i32
      %add3A_269 = vector.broadcast %mul3A_268 : i32 to vector<16xi32>
      %add3A_270 = arith.addi %add3A_269, %iota3A : vector<16xi32>
      %swap3A_271 = arith.index_cast %add3A_255 : i32 to index
      %swap3A_272 = tpu.vector_load %arg8[%swap3A_271] masked %and3A_266 {strides = array<i32>} : memref<20016xi32, #tpu.memory_space<vmem>>, vector<16xi32>, vector<16xi1>
      tpu.vector_store %arg8[%swap3A_271], %add3A_270 masked %and3A_266 {strides = array<i32>} : memref<20016xi32, #tpu.memory_space<vmem>>, vector<16xi32>, vector<16xi1>
      %all_reduce_population_count3A_273 = tpu.all_reduce %and3A_266 {dim = 0 : i64, kind = #tpu.reduction_kind<sum>} : vector<16xi1> -> vector<16xi32>
      %slice3A_274 = vector.extract_strided_slice %all_reduce_population_count3A_273 {offsets = [0], sizes = [1], strides = [1]} : vector<16xi32> to vector<1xi32>
      %squeeze3A_275 = vector.extract %slice3A_274[0] : i32 from vector<1xi32>
      %add3A_276 = arith.addi %add3A_255, %squeeze3A_275 : i32
      scf.yield %add3A_276 : i32
    }
    %scan3A_39 = arith.constant 1248 : i32
    %scan3A_40 = arith.addi %scan3A_34, %scan3A_39 : i32
    %mul3A_41 = arith.constant 16 : i32
    %mul3A_42 = arith.muli %scan3A_40, %mul3A_41 : i32
    %get3A = arith.index_cast %mul3A_42 : i32 to index
    %get3A_43 = tpu.vector_load %arg4[%get3A] {strides = array<i32>} : memref<20000xf32, #tpu.memory_space<vmem>>, vector<16xf32>,
    %ge3A = vector.broadcast %mul3A_4 : f32 to vector<16xf32>
    %ge3A_44 = arith.cmpf oge, %get3A_43, %ge3A : vector<16xf32>
    %lt3A = vector.broadcast %mul3A_9 : f32 to vector<16xf32>
    %lt3A_45 = arith.cmpf olt, %get3A_43, %lt3A : vector<16xf32>
    %and3A = arith.andi %ge3A_44, %lt3A_45 : vector<16xi1>
    %mul3A_46 = arith.constant 16 : i32
    %mul3A_47 = arith.muli %scan3A_40, %mul3A_46 : i32
    %add3A_48 = vector.broadcast %mul3A_47 : i32 to vector<16xi32>
    %add3A_49 = arith.addi %add3A_48, %iota3A : vector<16xi32>
    %swap3A = arith.index_cast %scan3A_38 : i32 to index
    %swap3A_50 = tpu.vector_load %arg8[%swap3A] masked %and3A {strides = array<i32>} : memref<20016xi32, #tpu.memory_space<vmem>>, vector<16xi32>, vector<16xi1>
    tpu.vector_store %arg8[%swap3A], %add3A_49 masked %and3A {strides = array<i32>} : memref<20016xi32, #tpu.memory_space<vmem>>, vector<16xi32>, vector<16xi1>
    %all_reduce_population_count3A = tpu.all_reduce %and3A {dim = 0 : i64, kind = #tpu.reduction_kind<sum>} : vector<16xi1> -> vector<16xi32>
    %slice3A = vector.extract_strided_slice %all_reduce_population_count3A {offsets = [0], sizes = [1], strides = [1]} : vector<16xi32> to vector<1xi32>
    %squeeze3A = vector.extract %slice3A[0] : i32 from vector<1xi32>
    %add3A_51 = arith.addi %scan3A_38, %squeeze3A : i32
    %scan3A_52 = arith.constant 1249 : i32
    %scan3A_53 = arith.addi %scan3A_34, %scan3A_52 : i32
    %mul3A_54 = arith.constant 16 : i32
    %mul3A_55 = arith.muli %scan3A_53, %mul3A_54 : i32
    %get3A_56 = arith.index_cast %mul3A_55 : i32 to index
    %get3A_57 = tpu.vector_load %arg4[%get3A_56] {strides = array<i32>} : memref<20000xf32, #tpu.memory_space<vmem>>, vector<16xf32>,
    %ge3A_58 = vector.broadcast %mul3A_4 : f32 to vector<16xf32>
    %ge3A_59 = arith.cmpf oge, %get3A_57, %ge3A_58 : vector<16xf32>
    %lt3A_60 = vector.broadcast %mul3A_9 : f32 to vector<16xf32>
    %lt3A_61 = arith.cmpf olt, %get3A_57, %lt3A_60 : vector<16xf32>
    %and3A_62 = arith.andi %ge3A_59, %lt3A_61 : vector<16xi1>
    %mul3A_63 = arith.constant 16 : i32
    %mul3A_64 = arith.muli %scan3A_53, %mul3A_63 : i32
    %add3A_65 = vector.broadcast %mul3A_64 : i32 to vector<16xi32>
    %add3A_66 = arith.addi %add3A_65, %iota3A : vector<16xi32>
    %swap3A_67 = arith.index_cast %add3A_51 : i32 to index
    %swap3A_68 = tpu.vector_load %arg8[%swap3A_67] masked %and3A_62 {strides = array<i32>} : memref<20016xi32, #tpu.memory_space<vmem>>, vector<16xi32>, vector<16xi1>
    tpu.vector_store %arg8[%swap3A_67], %add3A_66 masked %and3A_62 {strides = array<i32>} : memref<20016xi32, #tpu.memory_space<vmem>>, vector<16xi32>, vector<16xi1>
    %all_reduce_population_count3A_69 = tpu.all_reduce %and3A_62 {dim = 0 : i64, kind = #tpu.reduction_kind<sum>} : vector<16xi1> -> vector<16xi32>
    %slice3A_70 = vector.extract_strided_slice %all_reduce_population_count3A_69 {offsets = [0], sizes = [1], strides = [1]} : vector<16xi32> to vector<1xi32>
    %squeeze3A_71 = vector.extract %slice3A_70[0] : i32 from vector<1xi32>
    %add3A_72 = arith.addi %add3A_51, %squeeze3A_71 : i32
    %scan3A_73 = arith.constant 1250 : i32
    %dma_wait3A_74 = arith.constant 20000 : i32
    %dma_wait3A_75 = tpu.memref_slice %arg2[%dma_wait3A_74] : memref<80000xf32, #tpu.memory_space<hbm>> -> memref<20000xf32, #tpu.memory_space<hbm>>
    %dma_wait3A_76 = arith.constant 20000 : i32
    %dma_wait3A_77 = tpu.memref_slice %arg2[%dma_wait3A_76] : memref<80000xf32, #tpu.memory_space<hbm>> -> memref<20000xf32, #tpu.memory_space<hbm>>
    tpu.wait_dma2 semaphore(%arg13 : memref<!tpu.dma_semaphore, #tpu.memory_space<semaphore_mem>>) src(%dma_wait3A_77 : memref<20000xf32, #tpu.memory_space<hbm>>) dst(%arg5 : memref<20000xf32, #tpu.memory_space<vmem>>)
    %dma_wait3A_78 = arith.constant 40000 : i32
    %dma_wait3A_79 = tpu.memref_slice %arg2[%dma_wait3A_78] : memref<80000xf32, #tpu.memory_space<hbm>> -> memref<20000xf32, #tpu.memory_space<hbm>>
    %dma_wait3A_80 = arith.constant 40000 : i32
    %dma_wait3A_81 = tpu.memref_slice %arg2[%dma_wait3A_80] : memref<80000xf32, #tpu.memory_space<hbm>> -> memref<20000xf32, #tpu.memory_space<hbm>>
    tpu.wait_dma2 semaphore(%arg14 : memref<!tpu.dma_semaphore, #tpu.memory_space<semaphore_mem>>) src(%dma_wait3A_81 : memref<20000xf32, #tpu.memory_space<hbm>>) dst(%arg6 : memref<20000xf32, #tpu.memory_space<vmem>>)
    %dma_wait3A_82 = arith.constant 60000 : i32
    %dma_wait3A_83 = tpu.memref_slice %arg2[%dma_wait3A_82] : memref<80000xf32, #tpu.memory_space<hbm>> -> memref<20000xf32, #tpu.memory_space<hbm>>
    %dma_wait3A_84 = arith.constant 60000 : i32
    %dma_wait3A_85 = tpu.memref_slice %arg2[%dma_wait3A_84] : memref<80000xf32, #tpu.memory_space<hbm>> -> memref<20000xf32, #tpu.memory_space<hbm>>
    tpu.wait_dma2 semaphore(%arg15 : memref<!tpu.dma_semaphore, #tpu.memory_space<semaphore_mem>>) src(%dma_wait3A_85 : memref<20000xf32, #tpu.memory_space<hbm>>) dst(%arg7 : memref<20000xf32, #tpu.memory_space<vmem>>)
    %add3A_86 = arith.constant 15 : i32
    %add3A_87 = arith.addi %add3A_72, %add3A_86 : i32
    %shift_right_arithmetic3A = arith.constant 4 : i32
    %shift_right_arithmetic3A_88 = arith.shrsi %add3A_87, %shift_right_arithmetic3A : i32
    %while3A = arith.constant 0 : i32
    %while3A_89 = arith.subi %shift_right_arithmetic3A_88, %while3A : i32
    %while3A_90 = arith.addi %while3A, %while3A_89 : i32
    %while3A_91 = arith.constant 1 : i32
    %while3A_92 = arith.divsi %while3A_89, %while3A_91 : i32
    %while3A_93 = arith.muli %while3A_92, %while3A_91 : i32
    %while3A_94 = arith.addi %while3A, %while3A_93 : i32
    %while3A_95 = arith.constant 1 : i32
    scf.for %while3A_109 = %while3A to %while3A_94 step %while3A_95  : i32 {
      %mul3A_110 = arith.constant 16 : i32
      %mul3A_111 = arith.muli %while3A_109, %mul3A_110 : i32
      %get3A_112 = arith.index_cast %mul3A_111 : i32 to index
      %get3A_113 = tpu.vector_load %arg8[%get3A_112] {strides = array<i32>} : memref<20016xi32, #tpu.memory_space<vmem>>, vector<16xi32>,
      %add3A_114 = vector.broadcast %mul3A_111 : i32 to vector<16xi32>
      %add3A_115 = arith.addi %add3A_114, %iota3A : vector<16xi32>
      %lt3A_116 = vector.broadcast %add3A_72 : i32 to vector<16xi32>
      %lt3A_117 = arith.cmpi slt, %add3A_115, %lt3A_116 : vector<16xi32>
      %jit3A = arith.constant 0 : i32
      %broadcast_in_dim3A_118 = vector.broadcast %jit3A : i32 to vector<16xi32>
      %select_n3A = arith.select %lt3A_117, %get3A_113, %broadcast_in_dim3A_118 : vector<16xi1>, vector<16xi32>
      %gather3A = tpu.vector_load_idx %arg4[%select_n3A] : memref<20000xf32, #tpu.memory_space<vmem>>[vector<16xi32>], vector<16xf32>,
      %gather3A_119 = tpu.vector_load_idx %arg5[%select_n3A] : memref<20000xf32, #tpu.memory_space<vmem>>[vector<16xi32>], vector<16xf32>,
      %gather3A_120 = tpu.vector_load_idx %arg6[%select_n3A] : memref<20000xf32, #tpu.memory_space<vmem>>[vector<16xi32>], vector<16xf32>,
      %gather3A_121 = tpu.vector_load_idx %arg7[%select_n3A] : memref<20000xf32, #tpu.memory_space<vmem>>[vector<16xi32>], vector<16xf32>,
      %mul3A_122 = arith.constant 5.120000e+02 : f32
      %mul3A_123 = vector.broadcast %mul3A_122 : f32 to vector<16xf32>
      %mul3A_124 = arith.mulf %gather3A, %mul3A_123 : vector<16xf32>
      %convert_element_type3A_125 = arith.fptosi %mul3A_124 : vector<16xf32> to vector<16xi32>
      %mul3A_126 = arith.constant 5.120000e+02 : f32
      %mul3A_127 = vector.broadcast %mul3A_126 : f32 to vector<16xf32>
      %mul3A_128 = arith.mulf %gather3A_119, %mul3A_127 : vector<16xf32>
      %convert_element_type3A_129 = arith.fptosi %mul3A_128 : vector<16xf32> to vector<16xi32>
      %sub3A = vector.broadcast %mul3A_2 : i32 to vector<16xi32>
      %sub3A_130 = arith.subi %convert_element_type3A_125, %sub3A : vector<16xi32>
      %mul3A_131 = arith.constant 512 : i32
      %mul3A_132 = vector.broadcast %mul3A_131 : i32 to vector<16xi32>
      %mul3A_133 = arith.muli %sub3A_130, %mul3A_132 : vector<16xi32>
      %add3A_134 = arith.addi %mul3A_133, %convert_element_type3A_129 : vector<16xi32>
      %jit3A_135 = arith.constant 0 : i32
      %broadcast_in_dim3A_136 = vector.broadcast %jit3A_135 : i32 to vector<16xi32>
      %select_n3A_137 = arith.select %lt3A_117, %add3A_134, %broadcast_in_dim3A_136 : vector<16xi1>, vector<16xi32>
      tpu.vector_store_idx %arg9[%select_n3A_137], %broadcast_in_dim3A_29 masked %lt3A_117 : memref<8192xf32, #tpu.memory_space<vmem>>[vector<16xi32>], vector<16xf32>, vector<16xi1>
      tpu.vector_store_idx %arg10[%select_n3A_137], %gather3A_120 masked %lt3A_117 : memref<8192xf32, #tpu.memory_space<vmem>>[vector<16xi32>], vector<16xf32>, vector<16xi1>
      tpu.vector_store_idx %arg11[%select_n3A_137], %gather3A_121 masked %lt3A_117 : memref<8192xf32, #tpu.memory_space<vmem>>[vector<16xi32>], vector<16xf32>, vector<16xi1>
    }
    %while3A_96 = arith.constant 1 : i32
    scf.for %while3A_109 = %while3A_94 to %while3A_90 step %while3A_96  : i32 {
      %mul3A_110 = arith.constant 16 : i32
      %mul3A_111 = arith.muli %while3A_109, %mul3A_110 : i32
      %get3A_112 = arith.index_cast %mul3A_111 : i32 to index
      %get3A_113 = tpu.vector_load %arg8[%get3A_112] {strides = array<i32>} : memref<20016xi32, #tpu.memory_space<vmem>>, vector<16xi32>,
      %add3A_114 = vector.broadcast %mul3A_111 : i32 to vector<16xi32>
      %add3A_115 = arith.addi %add3A_114, %iota3A : vector<16xi32>
      %lt3A_116 = vector.broadcast %add3A_72 : i32 to vector<16xi32>
      %lt3A_117 = arith.cmpi slt, %add3A_115, %lt3A_116 : vector<16xi32>
      %jit3A = arith.constant 0 : i32
      %broadcast_in_dim3A_118 = vector.broadcast %jit3A : i32 to vector<16xi32>
      %select_n3A = arith.select %lt3A_117, %get3A_113, %broadcast_in_dim3A_118 : vector<16xi1>, vector<16xi32>
      %gather3A = tpu.vector_load_idx %arg4[%select_n3A] : memref<20000xf32, #tpu.memory_space<vmem>>[vector<16xi32>], vector<16xf32>,
      %gather3A_119 = tpu.vector_load_idx %arg5[%select_n3A] : memref<20000xf32, #tpu.memory_space<vmem>>[vector<16xi32>], vector<16xf32>,
      %gather3A_120 = tpu.vector_load_idx %arg6[%select_n3A] : memref<20000xf32, #tpu.memory_space<vmem>>[vector<16xi32>], vector<16xf32>,
      %gather3A_121 = tpu.vector_load_idx %arg7[%select_n3A] : memref<20000xf32, #tpu.memory_space<vmem>>[vector<16xi32>], vector<16xf32>,
      %mul3A_122 = arith.constant 5.120000e+02 : f32
      %mul3A_123 = vector.broadcast %mul3A_122 : f32 to vector<16xf32>
      %mul3A_124 = arith.mulf %gather3A, %mul3A_123 : vector<16xf32>
      %convert_element_type3A_125 = arith.fptosi %mul3A_124 : vector<16xf32> to vector<16xi32>
      %mul3A_126 = arith.constant 5.120000e+02 : f32
      %mul3A_127 = vector.broadcast %mul3A_126 : f32 to vector<16xf32>
      %mul3A_128 = arith.mulf %gather3A_119, %mul3A_127 : vector<16xf32>
      %convert_element_type3A_129 = arith.fptosi %mul3A_128 : vector<16xf32> to vector<16xi32>
      %sub3A = vector.broadcast %mul3A_2 : i32 to vector<16xi32>
      %sub3A_130 = arith.subi %convert_element_type3A_125, %sub3A : vector<16xi32>
      %mul3A_131 = arith.constant 512 : i32
      %mul3A_132 = vector.broadcast %mul3A_131 : i32 to vector<16xi32>
      %mul3A_133 = arith.muli %sub3A_130, %mul3A_132 : vector<16xi32>
      %add3A_134 = arith.addi %mul3A_133, %convert_element_type3A_129 : vector<16xi32>
      %jit3A_135 = arith.constant 0 : i32
      %broadcast_in_dim3A_136 = vector.broadcast %jit3A_135 : i32 to vector<16xi32>
      %select_n3A_137 = arith.select %lt3A_117, %add3A_134, %broadcast_in_dim3A_136 : vector<16xi1>, vector<16xi32>
      tpu.vector_store_idx %arg9[%select_n3A_137], %broadcast_in_dim3A_29 masked %lt3A_117 : memref<8192xf32, #tpu.memory_space<vmem>>[vector<16xi32>], vector<16xf32>, vector<16xi1>
      tpu.vector_store_idx %arg10[%select_n3A_137], %gather3A_120 masked %lt3A_117 : memref<8192xf32, #tpu.memory_space<vmem>>[vector<16xi32>], vector<16xf32>, vector<16xi1>
      tpu.vector_store_idx %arg11[%select_n3A_137], %gather3A_121 masked %lt3A_117 : memref<8192xf32, #tpu.memory_space<vmem>>[vector<16xi32>], vector<16xf32>, vector<16xi1>
    }
    %mul3A_97 = arith.constant 8192 : i32
    %mul3A_98 = arith.muli %add3A, %mul3A_97 : i32
    %add3A_99 = arith.constant 0 : i32
    %add3A_100 = arith.addi %add3A_99, %mul3A_98 : i32
    "tpu.region"() ({
      %run_scoped3A = tpu.sem_alloc : memref<!tpu.dma_semaphore, #tpu.memory_space<semaphore_mem>>
      %dma_start3A_109 = tpu.memref_slice %arg3[%add3A_100] : memref<786432xf32, #tpu.memory_space<hbm>> -> memref<8192xf32, #tpu.memory_space<hbm>>
      %dma_start3A_110 = tpu.memref_slice %arg3[%add3A_100] : memref<786432xf32, #tpu.memory_space<hbm>> -> memref<8192xf32, #tpu.memory_space<hbm>>
      tpu.enqueue_dma source(%arg9 : memref<8192xf32, #tpu.memory_space<vmem>>) target(%dma_start3A_110 : memref<8192xf32, #tpu.memory_space<hbm>>) target_semaphore(%run_scoped3A : memref<!tpu.dma_semaphore, #tpu.memory_space<semaphore_mem>>)
      %dma_wait3A_111 = tpu.memref_slice %arg3[%add3A_100] : memref<786432xf32, #tpu.memory_space<hbm>> -> memref<8192xf32, #tpu.memory_space<hbm>>
      %dma_wait3A_112 = tpu.memref_slice %arg3[%add3A_100] : memref<786432xf32, #tpu.memory_space<hbm>> -> memref<8192xf32, #tpu.memory_space<hbm>>
      tpu.wait_dma2 semaphore(%run_scoped3A : memref<!tpu.dma_semaphore, #tpu.memory_space<semaphore_mem>>) src(%arg9 : memref<8192xf32, #tpu.memory_space<vmem>>) dst(%dma_wait3A_112 : memref<8192xf32, #tpu.memory_space<hbm>>)
      tpu.yield
    }) : () -> ()
    %mul3A_101 = arith.constant 8192 : i32
    %mul3A_102 = arith.muli %add3A, %mul3A_101 : i32
    %add3A_103 = arith.constant 262144 : i32
    %add3A_104 = arith.addi %add3A_103, %mul3A_102 : i32
    "tpu.region"() ({
      %run_scoped3A = tpu.sem_alloc : memref<!tpu.dma_semaphore, #tpu.memory_space<semaphore_mem>>
      %dma_start3A_109 = tpu.memref_slice %arg3[%add3A_104] : memref<786432xf32, #tpu.memory_space<hbm>> -> memref<8192xf32, #tpu.memory_space<hbm>>
      %dma_start3A_110 = tpu.memref_slice %arg3[%add3A_104] : memref<786432xf32, #tpu.memory_space<hbm>> -> memref<8192xf32, #tpu.memory_space<hbm>>
      tpu.enqueue_dma source(%arg10 : memref<8192xf32, #tpu.memory_space<vmem>>) target(%dma_start3A_110 : memref<8192xf32, #tpu.memory_space<hbm>>) target_semaphore(%run_scoped3A : memref<!tpu.dma_semaphore, #tpu.memory_space<semaphore_mem>>)
      %dma_wait3A_111 = tpu.memref_slice %arg3[%add3A_104] : memref<786432xf32, #tpu.memory_space<hbm>> -> memref<8192xf32, #tpu.memory_space<hbm>>
      %dma_wait3A_112 = tpu.memref_slice %arg3[%add3A_104] : memref<786432xf32, #tpu.memory_space<hbm>> -> memref<8192xf32, #tpu.memory_space<hbm>>
      tpu.wait_dma2 semaphore(%run_scoped3A : memref<!tpu.dma_semaphore, #tpu.memory_space<semaphore_mem>>) src(%arg10 : memref<8192xf32, #tpu.memory_space<vmem>>) dst(%dma_wait3A_112 : memref<8192xf32, #tpu.memory_space<hbm>>)
      tpu.yield
    }) : () -> ()
    %mul3A_105 = arith.constant 8192 : i32
    %mul3A_106 = arith.muli %add3A, %mul3A_105 : i32
    %add3A_107 = arith.constant 524288 : i32
    %add3A_108 = arith.addi %add3A_107, %mul3A_106 : i32
    "tpu.region"() ({
      %run_scoped3A = tpu.sem_alloc : memref<!tpu.dma_semaphore, #tpu.memory_space<semaphore_mem>>
      %dma_start3A_109 = tpu.memref_slice %arg3[%add3A_108] : memref<786432xf32, #tpu.memory_space<hbm>> -> memref<8192xf32, #tpu.memory_space<hbm>>
      %dma_start3A_110 = tpu.memref_slice %arg3[%add3A_108] : memref<786432xf32, #tpu.memory_space<hbm>> -> memref<8192xf32, #tpu.memory_space<hbm>>
      tpu.enqueue_dma source(%arg11 : memref<8192xf32, #tpu.memory_space<vmem>>) target(%dma_start3A_110 : memref<8192xf32, #tpu.memory_space<hbm>>) target_semaphore(%run_scoped3A : memref<!tpu.dma_semaphore, #tpu.memory_space<semaphore_mem>>)
      %dma_wait3A_111 = tpu.memref_slice %arg3[%add3A_108] : memref<786432xf32, #tpu.memory_space<hbm>> -> memref<8192xf32, #tpu.memory_space<hbm>>
      %dma_wait3A_112 = tpu.memref_slice %arg3[%add3A_108] : memref<786432xf32, #tpu.memory_space<hbm>> -> memref<8192xf32, #tpu.memory_space<hbm>>
      tpu.wait_dma2 semaphore(%run_scoped3A : memref<!tpu.dma_semaphore, #tpu.memory_space<semaphore_mem>>) src(%arg11 : memref<8192xf32, #tpu.memory_space<vmem>>) dst(%dma_wait3A_112 : memref<8192xf32, #tpu.memory_space<hbm>>)
      tpu.yield
    }) : () -> ()
    return
  }
}

</mosaic_0001>

<sc_bundles>
// kernel: _heatmap.3.cloned.1.call-start
scs
__scs_entry_jumppad:
0x0: {  	(pc) =	sbr.rel $0x88, $3  }
0x1: {  	(tag) =	ssettag $0x0;
	lr =	simm.s32 $0x1  }
0x2: {  	[smem:$0x3FA0] =	sst lr;
	_ =	strace $0xD0000000  }
0x3: {  	_ = 	snop  }
0x4: {  	_ = 	snop  }
0x5: {  	_ = 	snop  }
0x6: {  	_ = 	snop  }
0x7: {  	_ = 	snop  }
__scs_overlays_trampoline_lowered:
0x8: {  	[smem:$0x3FAF] =	sst s0  }
0x9: {  	[smem:$0x3FB0] =	sst s1  }
0xa: {  	[smem:$0x3FB1] =	sst s2  }
0xb: {  	[smem:$0x3FB2] =	sst s3  }
0xc: {  	[smem:$0x3FB3] =	sst s4  }
0xd: {  	[smem:$0x3FB4] =	sst s5  }
0xe: {  	[smem:$0x3FB5] =	sst s6  }
0xf: {  	[smem:$0x3FB6] =	sst s7  }
0x10: {  	[smem:$0x3FB7] =	sst s8  }
0x11: {  	[smem:$0x3FB8] =	sst s9;
	s0 =	simm.s32 @!p0 $0x0  }
0x12: {  	s1 =	sld [smem:$0x3F9E];
	s0 =	simm.s32 @p0 $0x1  }
0x13: {  	[smem:$0x3FB9] =	sst s0;
	s0 =	simm.s32 @!p1 $0x0  }
0x14: {  	s2 =	sld [smem:$0x3F9D];
	s0 =	simm.s32 @p1 $0x1  }
0x15: {  	[smem:$0x3FBA] =	sst s0;
	s0 =	simm.s32 @!p2 $0x0  }
0x16: {  	s3 =	sld [smem:$0x3FDB];
	s0 =	simm.s32 @p2 $0x1  }
0x17: {  	s4 =	simm.s32 $0x1BF5;
	[smem:$0x3FBC] =	sst s0  }
0x18: {  	s0 =	sld [smem:$0x3F9F];
	_ =	swait.ge [sflag:s4], $0x0  }
0x19: {  	s7 =	sld [smem:$0x3FA0]  }
0x1a: {  	s8 =	sadd.s32 $0xFFFFE003, lr  }
0x1b: {  	s9 =	sadd.s32 $0xFFFFFEF7, lr;
	s5 =	simm.s32 $0xFFFFFFFF;
	p2 =	slt.u32 s8, $0xFFFFF086  }
0x1c: {  	p1 =	slt.u32 s9, $0xF7A;
	s5 =	simm.s32 @!p2 $0x0  }
0x1d: {  	s5 =	simm.s32 @p1 $0x1;
	p0 =	seq.s32 s7, s2  }
0x1e: {  	s7 =	smul.u32 @!p0 $0xF7A, s2;
	p2 =	seq.s32 @!p0 s5, $0x0  }
0x1f: {  	s9 =	smul.u32 $0xF7A, s1;
	s8 =	simm.s32 @!p0 $0x1BF5;
	p2 =	por !p2, p0  }
0x20: {  	[sflag:s8] =	ssyncset.s32 @!p0 $0xFFFFF086;
	s6 =	sadd.s32 @!p0 s3, s7;
	s7 =	simm.s32 @!p0 $0x108  }
0x21: {  	s3 =	sadd.s32 s3, s9;
	s6 =	sadd.s32 @!p0 $0x88, s6;
	s7 =	simm.s32 @p2 $0x1082  }
0x22: {  	[simem:s7], [sflag:s8] =	dma.local @!p0 [hbm:s6], $0xF7A  }
0x23: {  	s9 =	sor.u32 $0xD0000000, s2;
	s6 =	simm.s32 $0x108;
	_ =	swait.ge @!p0 [sflag:s8], $0x0  }
0x24: {  	s3 =	sadd.s32 $0x88, s3;
	s6 =	simm.s32 @!p1 $0x1082;
	[sflag:s4] =	ssyncset.s32 $0xFFFFF086  }
0x25: {  	[simem:s6], [sflag:s4] =	dma.local [hbm:s3], $0xF7A  }
0x26: {  	[smem:$0x3FA0] =	sst s1;
	(tag) =	ssettag s2;
	_ =	strace s9  }
0x27: {  	s1 =	sld [smem:$0x3FB0]  }
0x28: {  	s2 =	sld [smem:$0x3FB1]  }
0x29: {  	s4 =	sld [smem:$0x3FB3]  }
0x2a: {  	p0 =	seq.s32 s5, $0x0;
	s5 =	sld [smem:$0x3FB4]  }
0x2b: {  	s6 =	sld [smem:$0x3FB5]  }
0x2c: {  	s7 =	sld [smem:$0x3FB6]  }
0x2d: {  	s3 =	simm.s32 $0x108;
	s8 =	sld [smem:$0x3FB7]  }
0x2e: {  	s3 =	simm.s32 @!p0 $0x1082;
	s9 =	sld [smem:$0x3FB8]  }
0x2f: {  	lr =	sadd.s32 s0, s3;
	s0 =	sld [smem:$0x3FAF]  }
0x30: {  	s3 =	sld [smem:$0x3FB2]  }
0x31: {  	[smem:$0x3FBB] =	sst s10  }
0x32: {  	s10 =	sld [smem:$0x3FB9];
	_ =	sdelay $0x3  }
0x33: {  	p0 =	seq.s32 s10, $0x1;
	s10 =	sld [smem:$0x3FBB];
	_ =	sdelay $0x3  }
0x34: {  	[smem:$0x3FBB] =	sst s10  }
0x35: {  	s10 =	sld [smem:$0x3FBA];
	_ =	sdelay $0x3  }
0x36: {  	p1 =	seq.s32 s10, $0x1;
	s10 =	sld [smem:$0x3FBB];
	_ =	sdelay $0x3  }
0x37: {  	[smem:$0x3FBB] =	sst s10  }
0x38: {  	s10 =	sld [smem:$0x3FBC]  }
0x39: {  	_ = 	snop;
	(pc) =	sbr.ind lr, $3  }
0x3a: {  	_ = 	snop  }
0x3b: {  	_ = 	snop  }
0x3c: {  	p2 =	seq.s32 s10, $0x1;
	s10 =	sld [smem:$0x3FBB]  }
0x3d: {  	_ =	shalt  }
0x3e: {  	_ =	shalt  }
0x3f: {  	_ =	shalt  }
0x40: {  	_ =	shalt  }
0x41: {  	_ =	shalt  }
0x42: {  	_ =	shalt  }
0x43: {  	_ =	shalt  }
0x44: {  	_ =	shalt  }
0x45: {  	_ =	shalt  }
0x46: {  	_ =	shalt  }
0x47: {  	_ =	shalt  }
0x48: {  	_ =	shalt  }
0x49: {  	_ =	shalt  }
0x4a: {  	_ =	shalt  }
0x4b: {  	_ =	shalt  }
0x4c: {  	_ =	shalt  }
0x4d: {  	_ =	shalt  }
0x4e: {  	_ =	shalt  }
0x4f: {  	_ =	shalt  }
0x50: {  	_ =	shalt  }
0x51: {  	_ =	shalt  }
0x52: {  	_ =	shalt  }
0x53: {  	_ =	shalt  }
0x54: {  	_ =	shalt  }
0x55: {  	_ =	shalt  }
0x56: {  	_ =	shalt  }
0x57: {  	_ =	shalt  }
0x58: {  	_ =	shalt  }
0x59: {  	_ =	shalt  }
0x5a: {  	_ =	shalt  }
0x5b: {  	_ =	shalt  }
0x5c: {  	_ =	shalt  }
0x5d: {  	_ =	shalt  }
0x5e: {  	_ =	shalt  }
0x5f: {  	_ =	shalt  }
0x60: {  	_ =	shalt  }
0x61: {  	_ =	shalt  }
0x62: {  	_ =	shalt  }
0x63: {  	_ =	shalt  }
0x64: {  	_ =	shalt  }
0x65: {  	_ =	shalt  }
0x66: {  	_ =	shalt  }
0x67: {  	_ =	shalt  }
0x68: {  	_ =	shalt  }
0x69: {  	_ =	shalt  }
0x6a: {  	_ =	shalt  }
0x6b: {  	_ =	shalt  }
0x6c: {  	_ =	shalt  }
0x6d: {  	_ =	shalt  }
0x6e: {  	_ =	shalt  }
0x6f: {  	_ =	shalt  }
0x70: {  	_ =	shalt  }
0x71: {  	_ =	shalt  }
0x72: {  	_ =	shalt  }
0x73: {  	_ =	shalt  }
0x74: {  	_ =	shalt  }
0x75: {  	_ =	shalt  }
0x76: {  	_ =	shalt  }
0x77: {  	_ =	shalt  }
0x78: {  	_ =	shalt  }
0x79: {  	_ =	shalt  }
0x7a: {  	_ =	shalt  }
0x7b: {  	_ =	shalt  }
0x7c: {  	_ =	shalt  }
0x7d: {  	_ =	shalt  }
0x7e: {  	_ =	shalt  }
0x7f: {  	_ =	shalt  }
0x80: {  	_ =	shalt  }
0x81: {  	_ =	shalt  }
0x82: {  	_ =	shalt  }
0x83: {  	_ =	shalt  }
0x84: {  	_ =	shalt  }
0x85: {  	_ =	shalt  }
0x86: {  	_ =	shalt  }
0x87: {  	_ =	shalt  }
.Lfunc_end0:
.L_simem_size_0:
called_computation_lowered:
.L_overlay_start_0:
0x88: {  	s2 =	sld [smem:$0x3FD9]  }
0x89: {  	s3 =	sld [smem:$0x3FFE];
	_ =	sdelay $0x1  }
0x8a: {  	s1 =	srdreg.scid  }
0x8b: {  	s0 =	sand.u32 $0x1, s1  }
0x8c: {  	s18 =	sshll.u32 s0, $0xA;
	s2 =	sadd.s32 s3, s2  }
0x8d: {  	s2 =	sadd.s32 s2, s18  }
0x8e: {  	[smem:$0x3FC7] =	sst s2  }
0x8f: {  	_ = 	snop  }
0x90: {  	s2 =	sld [smem:$0x3FC9]  }
0x91: {  	s19 =	sld [smem:$0x3FD0];
	(tm) =	ssettm $0x1  }
0x92: {  	s4 =	sld [smem:$0x3FFB];
	_ =	sdelay $0x3  }
0x93: {  	_ =	strace s4  }
0x94: {  	s4 =	sld [smem:$0x3FFC];
	_ =	sdelay $0x3  }
0x95: {  	_ =	strace s4  }
0x96: {  	s4 =	sld [smem:$0x3FFD];
	_ =	sdelay $0x3  }
0x97: {  	_ =	strace s4  }
0x98: {  	_ =	strace $0x8FFFFFFF  }
0x99: {  	s20 =	sld [smem:$0x3FDB];
	_ =	sdelay $0x1  }
0x9a: {  	s5 =	simm.s32 $_scs_section_size  }
0x9b: {  	s6 =	simm.s32 $_size__tile_overlayer_lowered;
	s7 =	simm.s32 $_tile_overlayer_lowered  }
0x9c: {  	s23 =	simm.s32 $0x1BFF;
	s22 =	sshll.u32 s7, $0x1;
	s4 =	sadd.s32 s5, s20  }
0x9d: {  	s8 =	simm.s32 $0x0;
	s21 =	sshll.u32 s6, $0x1;
	s6 =	sadd.s32 s22, s4  }
0x9e: {  	[timem:s8], [sflag:s23] =	dma.local [hbm:s6], s21  }
0x9f: {  	_ =	swait.ge [sflag:s23], s21  }
0xa0: {  	s5 =	ssub.s32 $0x0, s21;
	[sflag:s23] =	ssyncset.done $0x0  }
0xa1: {  	[sflag:s23] =	ssyncadd.s32 s5;
	_ =	sdelay $0x1  }
0xa2: {  	s24 =	simm.s32 $0x1B8B  }
0xa3: {  	_ =	swait.ge [sflag:s24], $0x1  }
0xa4: {  	[sflag:s24] =	ssyncset.done $0x0  }
0xa5: {  	s25 =	simm.s32 $0x1B8E;
	[sflag:s24] =	ssyncadd.s32 $0xFFFFFFFF  }
0xa6: {  	s26 =	simm.s32 $execute0_lowered;
	[smem:$0x3FD2] =	sst s25  }
0xa7: {  	s5 =	sshll.u32 s26, $0x1;
	_ =	strace $0x80000046;
	[dreg:$0x1] =	wrdreg $0xFFFFFFFF  }
0xa8: {  	s28 =	simm.s32 $_size_execute0_lowered;
	s4 =	sadd.s32 s4, s5;
	[dreg:$0x0] =	wrdreg $0x0  }
0xa9: {  	s5 =	sshll.u32 s28, $0x1;
	[dreg:$0x2] =	wrdreg s4  }
0xaa: {  	[dreg:$0x3] =	wrdreg s5  }
0xab: {  	[dreg:$0x4] =	wrdreg $0xC0  }
0xac: {  	_ =	task [dreg:s8], $0x5FFFF  }
0xad: {  	[dreg:$0x1] =	wrdreg $0xFFFFFFFF  }
0xae: {  	[dreg:$0x0] =	wrdreg $0x60  }
0xaf: {  	[dreg:$0x2] =	wrdreg s2  }
0xb0: {  	[dreg:$0x3] =	wrdreg s19  }
0xb1: {  	[dreg:$0x4] =	wrdreg $0x9  }
0xb2: {  	_ =	task.clear_ibuf [dreg:s8], $0x5FFFF;
	_ =	strace $0x90000046  }
0xb3: {  	s29 =	simm.s32 $0x9;
	_ =	strace $0x80000048  }
0xb4: {  	_ =	swait.ge [sflag:s29], $0x1  }
0xb5: {  	[sflag:s29] =	ssyncadd.s32 $0xFFFFFFFF  }
0xb6: {  	_ =	strace $0x90000048  }
0xb7: {  	_ =	sfence  }
0xb8: {  	s30 =	sld [smem:$0x0];
	_ =	sdelay $0x2  }
0xb9: {  	s31 =	sshll.u32 s1, $0xD;
	s1 =	sshrl.u32 s1, $0x2  }
0xba: {  	s3 =	sand.u32 $0x4000, s31;
	s1 =	sadd.s32 s1, s30  }
0xbb: {  	s0 =	sor.u32 s3, s0;
	s1 =	sshll.u32 s1, $0x11  }
0xbc: {  	s0 =	sor.u32 s1, s0  }
0xbd: {  	s0 =	sadd.s32 $0x8F2B, s0  }
0xbe: {  	[sflag:s0] =	ssyncadd.remote.s32 $0x1  }
0xbf: {  	_ =	sfence.sel $0xFFFF  }
0xc0: {  	[dreg:$0x0] =	wrdreg $0xFFFFFFFF;
	(pc) =	sbr.abs _section_cstart, $3  }
0xc1: {  	[dreg:$0x1] =	wrdreg $0xFFFFFFFF  }
0xc2: {  	_ =	task.clear_ibuf [dreg:s8], $0x2FFFF;
	_ =	strace $0x9FFFFFFF  }
0xc3: {  	(tm) =	ssettm $0x7FFFFFFF  }
tec
execute0_lowered:
.L_overlay_start_1:
0x0: {  	(tag) =	ssettag $0x1  }
0x1: {  	s2 =	rddreg [dreg:$0x0]  }
0x2: {  	s7 =	rddreg [dreg:$0x1]  }
0x3: {  	s0 =	rddreg [dreg:$0x2]  }
0x4: {  	s4 =	srdreg.scid;
	s1 =	stileid.u32  }
0x5: {  	s3 =	simm.s32 $0x0;
	s11 =	simm.s32 $0x4E80;
	s12 =	simm.s32 $0x9D00  }
0x6: {  	s13 =	simm.s32 $0xEB80;
	s16 =	simm.s32 $0x3;
	s18 =	simm.s32 $0x18880  }
0x7: {  	s19 =	simm.s32 $0x1A880;
	s20 =	simm.s32 $0x1C880;
	s21 =	simm.s32 $0x5  }
0x8: {  	s22 =	simm.s32 $0x0;
	s4 =	sand.u32 $0x1, s4;
	s5 =	sshll.u32 s1, $0x1  }
0x9: {  	[smem:$0x7FF] =	sst s3;
	s5 =	sor.u32 s4, s5;
	s4 =	ssub.s32 $0x2, s4  }
0xa: {  	_ =	strace $0x80000047;
	s6 =	scvt.s32.f32 s5;
	s8 =	sadd.s32 $0x1, s5  }
0xb: {  	s9 =	sshrl.u32 s4, $0x1;
	s17 =	sshll.u32 s5, $0x4;
	s31 =	sshll.u32 s5, $0xA  }
.Ltmp0:
0xc: {  	s5 =	sadd.s32 $0x1388, s2;
	s8 =	scvt.s32.f32 s8;
	(pc) =	sbr.rel .LBB2_1-.Ltmp0, $4  }
0xd: {  	s10 =	ssub.s32 s4, s9;
	s4 =	sadd.s32 $0x9C4, s2;
	s14 =	smul.f32 $3.125000000e-02, s6  }
0xe: {  	v4 =	vlaneseq.u32;
	s7 =	sadd.s32 s7, s31;
	v2 =	vmov s17;
	s17 =	simm.s32 $0x4;
	s15 =	smul.f32 $3.125000000e-02, s8  }
0xf: {  	v3 =	vimm.f32 $0.0e+00;
	v7 =	vimm.f32 $1.000000000e+00;
	v5 =	vor.u32 $0x4E00, v4;
	s6 =	sadd.s32 $0x1D4C, s2;
	s9 =	sadd.s32 $0x10000, s7;
	s10 =	smax.u32 s10, $0x1  }
0x10: {  	v6 =	vor.u32 $0x4E10, v4;
	s8 =	sadd.s32 $0x8000, s7;
	v0 =	vmov s14;
	s14 =	simm.s32 $0x1;
	v1 =	vmov s15;
	s15 =	simm.s32 $0x2  }
.LBB2_8:
0x11: {  	[hbm4b:s7+s3] =	stream.linear.scatter [tilespmem:s18], [sflag:$0x5], $0x2000, $0x38;
	[tilespmem:$0x1E880] =	vst v63  }
0x12: {  	_ =	swait.ge [sflag:s21], $0x2000  }
0x13: {  	[sflag:s21] =	ssyncset.done $0x0  }
0x14: {  	[sflag:s21] =	ssyncadd.s32 $0xFFFFE000  }
0x15: {  	[hbm4b:s8+s3] =	stream.linear.scatter [tilespmem:s19], [sflag:$0x5], $0x2000, $0x38;
	[tilespmem:$0x1E880] =	vst v63  }
0x16: {  	s22 =	sadd.s32 $0x1, s22;
	_ =	swait.ge [sflag:s21], $0x2000  }
0x17: {  	p0 =	sne.s32 s22, s10;
	[sflag:s21] =	ssyncset.done $0x0  }
.Ltmp1:
0x18: {  	[sflag:s21] =	ssyncadd.s32 $0xFFFFE000;
	(pc) =	sbr.rel @!p0 .LBB2_9-.Ltmp1, $4  }
0x19: {  	[hbm4b:s9+s3] =	stream.linear.scatter [tilespmem:s20], [sflag:$0x5], $0x2000, $0x38;
	[tilespmem:$0x1E880] =	vst v63  }
0x1a: {  	_ =	swait.ge [sflag:s21], $0x2000  }
0x1b: {  	[sflag:s21] =	ssyncset.done $0x0  }
0x1c: {  	[sflag:s21] =	ssyncadd.s32 $0xFFFFE000  }
.LBB2_1:
0x1d: {  	[tilespmem:s3], [sflag:$0x1] =	stream.linear.gather [hbm4b:s2+s3], $0x4E20, $0x38;
	[tilespmem:$0x1E880] =	vst v63  }
0x1e: {  	_ = 	snop  }
0x1f: {  	[tilespmem:s11], [sflag:$0x2] =	stream.linear.gather [hbm4b:s4+s3], $0x4E20, $0x38;
	[tilespmem:$0x1E880] =	vst v63  }
0x20: {  	_ = 	snop  }
0x21: {  	[tilespmem:s12], [sflag:$0x3] =	stream.linear.gather [hbm4b:s5+s3], $0x4E20, $0x38;
	[tilespmem:$0x1E880] =	vst v63  }
0x22: {  	s25 =	simm.s32 $0x188C0  }
0x23: {  	[tilespmem:s13], [sflag:$0x4] =	stream.linear.gather [hbm4b:s6+s3], $0x4E20, $0x38;
	[tilespmem:$0x1E880] =	vst v63  }
0x24: {  	s23 =	simm.s32 $0x1A8C0;
	[tilespmem:s25+$0xFFFFFFC0] =	vst v3  }
0x25: {  	s24 =	simm.s32 $0x1C8C0;
	[tilespmem:s23+$0xFFFFFFC0] =	vst v3  }
0x26: {  	[tilespmem:s24+$0xFFFFFFC0] =	vst v3  }
0x27: {  	[tilespmem:s25+$0xFFFFFFD0] =	vst v3  }
0x28: {  	[tilespmem:s23+$0xFFFFFFD0] =	vst v3  }
0x29: {  	[tilespmem:s24+$0xFFFFFFD0] =	vst v3  }
0x2a: {  	[tilespmem:s25+$0xFFFFFFE0] =	vst v3  }
0x2b: {  	[tilespmem:s23+$0xFFFFFFE0] =	vst v3  }
0x2c: {  	[tilespmem:s24+$0xFFFFFFE0] =	vst v3  }
0x2d: {  	[tilespmem:s25+$0xFFFFFFF0] =	vst v3  }
0x2e: {  	[tilespmem:s23+$0xFFFFFFF0] =	vst v3  }
0x2f: {  	[tilespmem:s24+$0xFFFFFFF0] =	vst v3  }
0x30: {  	[tilespmem:s25+$0x0] =	vst v3  }
0x31: {  	[tilespmem:s23+$0x0] =	vst v3  }
0x32: {  	[tilespmem:s24+$0x0] =	vst v3  }
0x33: {  	[tilespmem:s25+$0x10] =	vst v3  }
0x34: {  	[tilespmem:s23+$0x10] =	vst v3  }
0x35: {  	[tilespmem:s24+$0x10] =	vst v3  }
0x36: {  	[tilespmem:s25+$0x20] =	vst v3  }
0x37: {  	[tilespmem:s23+$0x20] =	vst v3  }
0x38: {  	[tilespmem:s24+$0x20] =	vst v3  }
0x39: {  	[tilespmem:s25+$0x30] =	vst v3  }
0x3a: {  	[tilespmem:s23+$0x30] =	vst v3  }
0x3b: {  	s26 =	simm.s32 $0x18940;
	s25 =	simm.s32 $0x0;
	[tilespmem:s24+$0x30] =	vst v3  }
.LBB2_2:
0x3c: {  	[tilespmem:s26+$0xFFFFFFC0] =	vst v3;
	s23 =	sadd.s32 $0x80, s23  }
0x3d: {  	s24 =	sadd.s32 $0x80, s24;
	[tilespmem:s23+$0xFFFFFFC0] =	vst v3  }
0x3e: {  	[tilespmem:s24+$0xFFFFFFC0] =	vst v3  }
0x3f: {  	[tilespmem:s26+$0xFFFFFFD0] =	vst v3  }
0x40: {  	[tilespmem:s23+$0xFFFFFFD0] =	vst v3  }
0x41: {  	[tilespmem:s24+$0xFFFFFFD0] =	vst v3  }
0x42: {  	[tilespmem:s26+$0xFFFFFFE0] =	vst v3  }
0x43: {  	[tilespmem:s23+$0xFFFFFFE0] =	vst v3  }
0x44: {  	[tilespmem:s24+$0xFFFFFFE0] =	vst v3  }
0x45: {  	[tilespmem:s26+$0xFFFFFFF0] =	vst v3  }
0x46: {  	[tilespmem:s23+$0xFFFFFFF0] =	vst v3  }
0x47: {  	[tilespmem:s24+$0xFFFFFFF0] =	vst v3  }
0x48: {  	[tilespmem:s26+$0x0] =	vst v3  }
0x49: {  	[tilespmem:s23+$0x0] =	vst v3  }
0x4a: {  	[tilespmem:s24+$0x0] =	vst v3  }
0x4b: {  	[tilespmem:s26+$0x10] =	vst v3  }
0x4c: {  	[tilespmem:s23+$0x10] =	vst v3  }
0x4d: {  	s25 =	sadd.s32 $0x8, s25;
	[tilespmem:s24+$0x10] =	vst v3  }
0x4e: {  	p0 =	slt.u32 s25, $0x1F8;
	[tilespmem:s26+$0x20] =	vst v3  }
.Ltmp2:
0x4f: {  	[tilespmem:s23+$0x20] =	vst v3;
	(pc) =	sbr.rel @p0 .LBB2_2-.Ltmp2, $4  }
0x50: {  	[tilespmem:s24+$0x20] =	vst v3  }
0x51: {  	[tilespmem:s26+$0x30] =	vst v3  }
0x52: {  	[tilespmem:s23+$0x30] =	vst v3  }
0x53: {  	s26 =	sadd.s32 $0x80, s26;
	[tilespmem:s24+$0x30] =	vst v3  }
0x54: {  	_ =	swait.ge [sflag:s14], $0x4E20  }
0x55: {  	[sflag:s14] =	ssyncset.done $0x0  }
0x56: {  	s23 =	simm.s32 $0x40;
	[sflag:s14] =	ssyncadd.s32 $0xFFFFB1E0  }
0x57: {  	v8 =	vld [tilespmem:s23+$0xFFFFFFC0];
	_ =	sdelay $0x4  }
0x58: {  	s24 =	simm.s32 $0x0;
	vm0 =	vge.f32 v8, v0;
	vm1 =	vlt.f32 v8, v1  }
0x59: {  	s25 =	simm.s32 $0x0;
	v8 =	vor.u32 s24, v4;
	vm0 =	vmand vm0, vm1  }
0x5a: {  	[tilespmem:s25+$0x13A00] =	vst.msk vm0, v8;
	v8 =	vmpcnt.ones.xlane vm0  }
0x5b: {  	v9 =	vld [tilespmem:s23+$0xFFFFFFD0]  }
0x5c: {  	(v2sf) =	vpush v8, $0x0;
	_ =	sdelay $0x3  }
0x5d: {  	vm0 =	vge.f32 v9, v0;
	vm1 =	vlt.f32 v9, v1  }
0x5e: {  	vm0 =	vmand vm0, vm1  }
0x5f: {  	v8 =	vmpcnt.ones.xlane vm0;
	_ =	sdelay $0x1  }
0x60: {  	(v2sf) =	vpush v8, $0x0;
	_ =	sdelay $0x6  }
0x61: {  	s26 =	simm.s32 $0x10;
	s30 =	spop (v2sf)  }
0x62: {  	v8 =	vor.u32 s26, v4;
	s25 =	sadd.s32 $0x0, s30  }
0x63: {  	[tilespmem:s25+$0x13A00] =	vst.msk vm0, v8  }
0x64: {  	v8 =	vld [tilespmem:s23+$0xFFFFFFE0];
	_ =	sdelay $0x4  }
0x65: {  	s31 =	simm.s32 $0x20;
	vm0 =	vge.f32 v8, v0;
	vm1 =	vlt.f32 v8, v1;
	s26 =	spop (v2sf)  }
0x66: {  	v8 =	vor.u32 s31, v4;
	s25 =	sadd.s32 s25, s26;
	vm0 =	vmand vm0, vm1  }
0x67: {  	[tilespmem:s25+$0x13A00] =	vst.msk vm0, v8;
	v8 =	vmpcnt.ones.xlane vm0  }
0x68: {  	v61 =	vld [tilespmem:s23+$0xFFFFFFF0]  }
0x69: {  	(v2sf) =	vpush v8, $0x0;
	_ =	sdelay $0x3  }
0x6a: {  	vm0 =	vge.f32 v61, v0;
	vm1 =	vlt.f32 v61, v1  }
0x6b: {  	vm0 =	vmand vm0, vm1  }
0x6c: {  	v8 =	vmpcnt.ones.xlane vm0;
	_ =	sdelay $0x1  }
0x6d: {  	(v2sf) =	vpush v8, $0x0;
	_ =	sdelay $0x6  }
0x6e: {  	s30 =	simm.s32 $0x30;
	s31 =	spop (v2sf)  }
0x6f: {  	v8 =	vor.u32 s30, v4;
	s25 =	sadd.s32 s25, s31  }
0x70: {  	[tilespmem:s25+$0x13A00] =	vst.msk vm0, v8  }
0x71: {  	v8 =	vld [tilespmem:s23+$0x0];
	_ =	sdelay $0x4  }
0x72: {  	s30 =	simm.s32 $0x40;
	vm0 =	vge.f32 v8, v0;
	vm1 =	vlt.f32 v8, v1;
	s31 =	spop (v2sf)  }
0x73: {  	v8 =	vor.u32 s30, v4;
	s25 =	sadd.s32 s25, s31;
	vm0 =	vmand vm0, vm1  }
0x74: {  	[tilespmem:s25+$0x13A00] =	vst.msk vm0, v8;
	v8 =	vmpcnt.ones.xlane vm0  }
0x75: {  	v62 =	vld [tilespmem:s23+$0x10]  }
0x76: {  	(v2sf) =	vpush v8, $0x0;
	_ =	sdelay $0x3  }
0x77: {  	vm0 =	vge.f32 v62, v0;
	vm1 =	vlt.f32 v62, v1  }
0x78: {  	vm0 =	vmand vm0, vm1  }
0x79: {  	v8 =	vmpcnt.ones.xlane vm0;
	_ =	sdelay $0x1  }
0x7a: {  	(v2sf) =	vpush v8, $0x0;
	_ =	sdelay $0x6  }
0x7b: {  	s30 =	simm.s32 $0x50;
	s31 =	spop (v2sf)  }
0x7c: {  	v8 =	vor.u32 s30, v4;
	s25 =	sadd.s32 s25, s31  }
0x7d: {  	[tilespmem:s25+$0x13A00] =	vst.msk vm0, v8  }
0x7e: {  	v8 =	vld [tilespmem:s23+$0x20];
	_ =	sdelay $0x4  }
0x7f: {  	s30 =	simm.s32 $0x60;
	vm0 =	vge.f32 v8, v0;
	vm1 =	vlt.f32 v8, v1;
	s31 =	spop (v2sf)  }
0x80: {  	v8 =	vor.u32 s30, v4;
	s25 =	sadd.s32 s25, s31;
	vm0 =	vmand vm0, vm1  }
0x81: {  	[tilespmem:s25+$0x13A00] =	vst.msk vm0, v8;
	v8 =	vmpcnt.ones.xlane vm0  }
0x82: {  	v63 =	vld [tilespmem:s23+$0x30]  }
0x83: {  	(v2sf) =	vpush v8, $0x0;
	_ =	sdelay $0x3  }
0x84: {  	vm0 =	vge.f32 v63, v0;
	vm1 =	vlt.f32 v63, v1  }
0x85: {  	vm0 =	vmand vm0, vm1  }
0x86: {  	v8 =	vmpcnt.ones.xlane vm0;
	_ =	sdelay $0x1  }
0x87: {  	(v2sf) =	vpush v8, $0x0;
	_ =	sdelay $0x6  }
0x88: {  	s30 =	simm.s32 $0x70;
	s31 =	spop (v2sf)  }
0x89: {  	v8 =	vor.u32 s30, v4;
	s26 =	sadd.s32 s25, s31  }
0x8a: {  	s24 =	simm.s32 $0xC0;
	[tilespmem:s26+$0x13A00] =	vst.msk vm0, v8  }
0x8b: {  	v8 =	vld [tilespmem:s24+$0xFFFFFFC0];
	_ =	sdelay $0x3  }
0x8c: {  	s28 =	simm.s32 $0x80  }
0x8d: {  	s23 =	simm.s32 $0xF0;
	s25 =	simm.s32 $0x8;
	vm0 =	vge.f32 v8, v0;
	vm1 =	vlt.f32 v8, v1;
	s29 =	spop (v2sf)  }
.LBB2_4:
0x8e: {  	s25 =	sadd.s32 $0x8, s25;
	vm0 =	vmand vm0, vm1;
	v8 =	vor.u32 s28, v4;
	s26 =	sadd.s32 s26, s29  }
0x8f: {  	p0 =	slt.u32 s25, $0x4D8;
	[tilespmem:s26+$0x13A00] =	vst.msk vm0, v8;
	v8 =	vmpcnt.ones.xlane vm0  }
0x90: {  	v9 =	vld [tilespmem:s24+$0xFFFFFFD0]  }
0x91: {  	(v2sf) =	vpush v8, $0x0;
	_ =	sdelay $0x3  }
0x92: {  	vm0 =	vge.f32 v9, v0;
	vm1 =	vlt.f32 v9, v1  }
0x93: {  	vm0 =	vmand vm0, vm1  }
0x94: {  	v8 =	vmpcnt.ones.xlane vm0;
	_ =	sdelay $0x1  }
0x95: {  	(v2sf) =	vpush v8, $0x0;
	_ =	sdelay $0x6  }
0x96: {  	s28 =	sadd.s32 $0xFFFFFFA0, s23;
	s29 =	spop (v2sf)  }
0x97: {  	v8 =	vor.u32 s28, v4;
	s26 =	sadd.s32 s26, s29  }
0x98: {  	[tilespmem:s26+$0x13A00] =	vst.msk vm0, v8  }
0x99: {  	v8 =	vld [tilespmem:s24+$0xFFFFFFE0];
	_ =	sdelay $0x4  }
0x9a: {  	s28 =	sadd.s32 $0xFFFFFFB0, s23;
	vm0 =	vge.f32 v8, v0;
	vm1 =	vlt.f32 v8, v1;
	s29 =	spop (v2sf)  }
0x9b: {  	v8 =	vor.u32 s28, v4;
	s26 =	sadd.s32 s26, s29;
	vm0 =	vmand vm0, vm1  }
0x9c: {  	[tilespmem:s26+$0x13A00] =	vst.msk vm0, v8;
	v8 =	vmpcnt.ones.xlane vm0  }
0x9d: {  	v9 =	vld [tilespmem:s24+$0xFFFFFFF0]  }
0x9e: {  	(v2sf) =	vpush v8, $0x0;
	_ =	sdelay $0x3  }
0x9f: {  	vm0 =	vge.f32 v9, v0;
	vm1 =	vlt.f32 v9, v1  }
0xa0: {  	vm0 =	vmand vm0, vm1  }
0xa1: {  	v8 =	vmpcnt.ones.xlane vm0;
	_ =	sdelay $0x1  }
0xa2: {  	(v2sf) =	vpush v8, $0x0;
	_ =	sdelay $0x6  }
0xa3: {  	s28 =	sadd.s32 $0xFFFFFFC0, s23;
	s29 =	spop (v2sf)  }
0xa4: {  	v8 =	vor.u32 s28, v4;
	s26 =	sadd.s32 s26, s29  }
0xa5: {  	[tilespmem:s26+$0x13A00] =	vst.msk vm0, v8  }
0xa6: {  	v8 =	vld [tilespmem:s24+$0x0];
	_ =	sdelay $0x4  }
0xa7: {  	s28 =	sadd.s32 $0xFFFFFFD0, s23;
	vm0 =	vge.f32 v8, v0;
	vm1 =	vlt.f32 v8, v1;
	s29 =	spop (v2sf)  }
0xa8: {  	v8 =	vor.u32 s28, v4;
	s26 =	sadd.s32 s26, s29;
	vm0 =	vmand vm0, vm1  }
0xa9: {  	[tilespmem:s26+$0x13A00] =	vst.msk vm0, v8;
	v8 =	vmpcnt.ones.xlane vm0  }
0xaa: {  	v9 =	vld [tilespmem:s24+$0x10]  }
0xab: {  	(v2sf) =	vpush v8, $0x0;
	_ =	sdelay $0x3  }
0xac: {  	vm0 =	vge.f32 v9, v0;
	vm1 =	vlt.f32 v9, v1  }
0xad: {  	vm0 =	vmand vm0, vm1  }
0xae: {  	v8 =	vmpcnt.ones.xlane vm0;
	_ =	sdelay $0x1  }
0xaf: {  	(v2sf) =	vpush v8, $0x0;
	_ =	sdelay $0x6  }
0xb0: {  	s28 =	sadd.s32 $0xFFFFFFE0, s23;
	s29 =	spop (v2sf)  }
0xb1: {  	v8 =	vor.u32 s28, v4;
	s26 =	sadd.s32 s26, s29  }
0xb2: {  	[tilespmem:s26+$0x13A00] =	vst.msk vm0, v8  }
0xb3: {  	v8 =	vld [tilespmem:s24+$0x20];
	_ =	sdelay $0x4  }
0xb4: {  	s28 =	sadd.s32 $0xFFFFFFF0, s23;
	vm0 =	vge.f32 v8, v0;
	vm1 =	vlt.f32 v8, v1;
	s29 =	spop (v2sf)  }
0xb5: {  	v8 =	vor.u32 s28, v4;
	s26 =	sadd.s32 s26, s29;
	vm0 =	vmand vm0, vm1  }
0xb6: {  	[tilespmem:s26+$0x13A00] =	vst.msk vm0, v8;
	v8 =	vmpcnt.ones.xlane vm0  }
0xb7: {  	v9 =	vld [tilespmem:s24+$0x30]  }
0xb8: {  	(v2sf) =	vpush v8, $0x0;
	_ =	sdelay $0x3  }
0xb9: {  	vm0 =	vge.f32 v9, v0;
	vm1 =	vlt.f32 v9, v1  }
0xba: {  	vm0 =	vmand vm0, vm1  }
0xbb: {  	v8 =	vmpcnt.ones.xlane vm0;
	_ =	sdelay $0x1  }
0xbc: {  	(v2sf) =	vpush v8, $0x0;
	_ =	sdelay $0x6  }
0xbd: {  	s28 =	spop (v2sf)  }
0xbe: {  	v8 =	vor.u32 s23, v4;
	s26 =	sadd.s32 s26, s28  }
0xbf: {  	s24 =	sadd.s32 $0x80, s24;
	[tilespmem:s26+$0x13A00] =	vst.msk vm0, v8  }
0xc0: {  	v8 =	vld [tilespmem:s24+$0xFFFFFFC0]  }
.Ltmp3:
0xc1: {  	(pc) =	sbr.rel @p0 .LBB2_4-.Ltmp3, $3  }
0xc2: {  	_ =	sdelay $0x1  }
0xc3: {  	s23 =	sadd.s32 $0x80, s23  }
0xc4: {  	s28 =	sadd.s32 $0xFFFFFF90, s23;
	vm0 =	vge.f32 v8, v0;
	vm1 =	vlt.f32 v8, v1;
	s29 =	spop (v2sf)  }
0xc5: {  	vm0 =	vmand vm0, vm1;
	v8 =	vor.u32 s28, v4;
	s25 =	sadd.s32 s26, s29  }
0xc6: {  	[tilespmem:s25+$0x13A00] =	vst.msk vm0, v8;
	v8 =	vmpcnt.ones.xlane vm0  }
0xc7: {  	v9 =	vld [tilespmem:s24+$0xFFFFFFD0]  }
0xc8: {  	(v2sf) =	vpush v8, $0x0;
	_ =	sdelay $0x3  }
0xc9: {  	vm10 =	vge.f32 v9, v0;
	vm11 =	vlt.f32 v9, v1  }
0xca: {  	vm0 =	vmand vm10, vm11  }
0xcb: {  	v8 =	vmpcnt.ones.xlane vm0;
	_ =	sdelay $0x1  }
0xcc: {  	(v2sf) =	vpush v8, $0x0;
	_ =	sdelay $0x6  }
0xcd: {  	s29 =	sadd.s32 $0xFFFFFFA0, s23;
	s30 =	spop (v2sf)  }
0xce: {  	v8 =	vor.u32 s29, v4;
	s25 =	sadd.s32 s25, s30  }
0xcf: {  	[tilespmem:s25+$0x13A00] =	vst.msk vm0, v8  }
0xd0: {  	v8 =	vld [tilespmem:s24+$0xFFFFFFE0];
	_ =	sdelay $0x4  }
0xd1: {  	s31 =	sadd.s32 $0xFFFFFFB0, s23;
	vm12 =	vge.f32 v8, v0;
	vm13 =	vlt.f32 v8, v1;
	s29 =	spop (v2sf)  }
0xd2: {  	v8 =	vor.u32 s31, v4;
	s25 =	sadd.s32 s25, s29;
	vm0 =	vmand vm12, vm13  }
0xd3: {  	[tilespmem:s25+$0x13A00] =	vst.msk vm0, v8;
	v8 =	vmpcnt.ones.xlane vm0  }
0xd4: {  	v60 =	vld [tilespmem:s24+$0xFFFFFFF0]  }
0xd5: {  	(v2sf) =	vpush v8, $0x0;
	_ =	sdelay $0x3  }
0xd6: {  	vm14 =	vge.f32 v60, v0;
	vm15 =	vlt.f32 v60, v1  }
0xd7: {  	vm0 =	vmand vm14, vm15  }
0xd8: {  	v8 =	vmpcnt.ones.xlane vm0;
	_ =	sdelay $0x1  }
0xd9: {  	(v2sf) =	vpush v8, $0x0;
	_ =	sdelay $0x6  }
0xda: {  	s30 =	sadd.s32 $0xFFFFFFC0, s23;
	s31 =	spop (v2sf)  }
0xdb: {  	v8 =	vor.u32 s30, v4;
	s25 =	sadd.s32 s25, s31  }
0xdc: {  	[tilespmem:s25+$0x13A00] =	vst.msk vm0, v8  }
0xdd: {  	v8 =	vld [tilespmem:s24+$0x0];
	_ =	sdelay $0x4  }
0xde: {  	s29 =	sadd.s32 $0xFFFFFFD0, s23;
	vm4 =	vge.f32 v8, v0;
	vm5 =	vlt.f32 v8, v1;
	s30 =	spop (v2sf)  }
0xdf: {  	v8 =	vor.u32 s29, v4;
	s25 =	sadd.s32 s25, s30;
	vm0 =	vmand vm4, vm5  }
0xe0: {  	[tilespmem:s25+$0x13A00] =	vst.msk vm0, v8;
	v8 =	vmpcnt.ones.xlane vm0  }
0xe1: {  	v61 =	vld [tilespmem:s24+$0x10]  }
0xe2: {  	(v2sf) =	vpush v8, $0x0;
	_ =	sdelay $0x3  }
0xe3: {  	vm6 =	vge.f32 v61, v0;
	vm7 =	vlt.f32 v61, v1  }
0xe4: {  	vm0 =	vmand vm6, vm7  }
0xe5: {  	v8 =	vmpcnt.ones.xlane vm0;
	_ =	sdelay $0x1  }
0xe6: {  	(v2sf) =	vpush v8, $0x0;
	_ =	sdelay $0x6  }
0xe7: {  	s31 =	sadd.s32 $0xFFFFFFE0, s23;
	s29 =	spop (v2sf)  }
0xe8: {  	v8 =	vor.u32 s31, v4;
	s25 =	sadd.s32 s25, s29  }
0xe9: {  	[tilespmem:s25+$0x13A00] =	vst.msk vm0, v8  }
0xea: {  	v8 =	vld [tilespmem:s24+$0x20];
	_ =	sdelay $0x4  }
0xeb: {  	s30 =	sadd.s32 $0xFFFFFFF0, s23;
	vm8 =	vge.f32 v8, v0;
	vm9 =	vlt.f32 v8, v1;
	s31 =	spop (v2sf)  }
0xec: {  	v8 =	vor.u32 s30, v4;
	s25 =	sadd.s32 s25, s31;
	vm0 =	vmand vm8, vm9  }
0xed: {  	[tilespmem:s25+$0x13A00] =	vst.msk vm0, v8;
	v8 =	vmpcnt.ones.xlane vm0  }
0xee: {  	v62 =	vld [tilespmem:s24+$0x30]  }
0xef: {  	(v2sf) =	vpush v8, $0x0;
	_ =	sdelay $0x3  }
0xf0: {  	vm10 =	vge.f32 v62, v0;
	vm11 =	vlt.f32 v62, v1  }
0xf1: {  	vm0 =	vmand vm10, vm11  }
0xf2: {  	v8 =	vmpcnt.ones.xlane vm0;
	_ =	sdelay $0x1  }
0xf3: {  	(v2sf) =	vpush v8, $0x0;
	_ =	sdelay $0x6  }
0xf4: {  	s28 =	spop (v2sf)  }
0xf5: {  	v8 =	vor.u32 s23, v4;
	s24 =	sadd.s32 s25, s28  }
0xf6: {  	[tilespmem:s24+$0x13A00] =	vst.msk vm0, v8  }
0xf7: {  	v8 =	vld [tilespmem:$0x4E00];
	_ =	sdelay $0x4  }
0xf8: {  	s29 =	spop (v2sf);
	vm12 =	vge.f32 v8, v0;
	vm13 =	vlt.f32 v8, v1  }
0xf9: {  	s23 =	sadd.s32 s24, s29;
	vm0 =	vmand vm12, vm13  }
0xfa: {  	[tilespmem:s23+$0x13A00] =	vst.msk vm0, v5  }
0xfb: {  	v8 =	vld [tilespmem:$0x4E10];
	_ =	sdelay $0x4  }
0xfc: {  	v63 =	vmpcnt.ones.xlane vm0;
	vm14 =	vge.f32 v8, v0;
	vm15 =	vlt.f32 v8, v1  }
0xfd: {  	vm0 =	vmand vm14, vm15  }
0xfe: {  	(v2sf) =	vpush v63, $0x0;
	v8 =	vmpcnt.ones.xlane vm0;
	_ =	sdelay $0x1  }
0xff: {  	(v2sf) =	vpush v8, $0x0;
	_ =	sdelay $0xc  }
0x100: {  	s30 =	spop (v2sf)  }
0x101: {  	s23 =	sadd.s32 s23, s30  }
0x102: {  	[tilespmem:s23+$0x13A00] =	vst.msk vm0, v6;
	s31 =	spop (v2sf)  }
0x103: {  	_ =	swait.ge [sflag:s15], $0x4E20;
	s24 =	sadd.s32 s23, s31  }
0x104: {  	[sflag:s15] =	ssyncset.done $0x0;
	s23 =	sadd.s32 $0xF, s24  }
0x105: {  	[sflag:s15] =	ssyncadd.s32 $0xFFFFB1E0;
	s23 =	sshra.s32 s23, $0x4  }
0x106: {  	_ =	swait.ge [sflag:s16], $0x4E20;
	p0 =	slt.s32 s23, $0x1  }
.Ltmp4:
0x107: {  	[sflag:s16] =	ssyncset.done $0x0;
	(pc) =	sbr.rel @p0 .LBB2_8-.Ltmp4, $4  }
0x108: {  	[sflag:s16] =	ssyncadd.s32 $0xFFFFB1E0  }
0x109: {  	_ =	swait.ge [sflag:s17], $0x4E20  }
0x10a: {  	[sflag:s17] =	ssyncset.done $0x0  }
0x10b: {  	[sflag:s17] =	ssyncadd.s32 $0xFFFFB1E0  }
0x10c: {  	v8 =	vmov s24;
	s24 =	simm.s32 $0x13A00;
	s25 =	simm.s32 $0x0  }
.LBB2_7:
0x10d: {  	v9 =	vld [tilespmem:s24+$0x0];
	_ =	sdelay $0x2  }
0x10e: {  	v10 =	vor.u32 s25, v4  }
0x10f: {  	vm0 =	vlt.s32 v10, v8  }
0x110: {  	v9 =	vnsel vm0, $0x0, v9;
	_ =	sdelay $0x4  }
0x111: {  	v10 =	vld.idx.msk [tilespmem:v9+s3+$0x0], $0xffff;
	_ =	sdelay $0x1  }
0x112: {  	v11 =	vld.idx.msk [tilespmem:v9+s11+$0x0], $0xffff;
	_ =	sdelay $0x2  }
0x113: {  	v10 =	vmul.f32 $5.120000000e+02, v10;
	_ =	sdelay $0x1  }
0x114: {  	v11 =	vmul.f32 $5.120000000e+02, v11;
	v10 =	vtrunc.f32 v10  }
0x115: {  	v10 =	vcvt.f32.s32 v10  }
0x116: {  	v11 =	vtrunc.f32 v11  }
0x117: {  	v11 =	vcvt.f32.s32 v11;
	v10 =	vsub.s32 v10, v2  }
0x118: {  	v10 =	vshll.u32 v10, $0x9  }
0x119: {  	v10 =	vadd.s32 v11, v10  }
0x11a: {  	v10 =	vnsel vm0, $0x0, v10  }
0x11b: {  	v11 =	vld.idx.msk [tilespmem:v9+s12+$0x0], $0xffff  }
0x11c: {  	p0 =	sne.s32 s23, $0x1;
	v9 =	vld.idx.msk [tilespmem:v9+s13+$0x0], $0xffff  }
.Ltmp5:
0x11d: {  	_ = 	snop;
	(pc) =	sbr.rel @p0 .LBB2_7-.Ltmp5, $4  }
0x11e: {  	_ = 	snop  }
0x11f: {  	[tilespmem:v10+s18+$0x0] =	vst.idx.msk vm0, v7  }
0x120: {  	[tilespmem:v10+s19+$0x0] =	vst.idx.msk vm0, v11  }
0x121: {  	s24 =	sadd.s32 $0x10, s24;
	s25 =	sadd.s32 $0x10, s25;
	s23 =	sadd.s32 $0xFFFFFFFF, s23;
	[tilespmem:v10+s20+$0x0] =	vst.idx.msk vm0, v9  }
.Ltmp6:
0x122: {  	_ = 	snop;
	(pc) =	sbr.rel .LBB2_8-.Ltmp6, $1  }
0x123: {  	_ =	sdelay $0x3  }
.LBB2_9:
0x124: {  	_ =	sfence.sel $0x180000  }
0x125: {  	[bflag:$0x0] =	sbarrier.arrive $0xFFFF  }
0x126: {  	p0 =	sne.s32 s1, $0x0;
	_ =	strace $0x90000047  }
0x127: {  	s0 =	sadd.s32 @!p0 $0x100000, s0;
	[bflag:$0x2] =	sbarrier.arrive $0xFFFF  }
0x128: {  	[sflag:s0] =	ssyncadd.tile.s32 @!p0 $0x1;
	_ =	shalt  }
.Lfunc_end2:
_tile_overlayer_lowered:
.L_overlay_start_2:
0x129: {  	(tag) =	ssettag $0x2  }
0x12a: {  	s0 =	rddreg [dreg:$0x0];
	s2 =	stileid.u32  }
0x12b: {  	s1 =	rddreg [dreg:$0x1];
	p0 =	sne.s32 s2, $0x0  }
0x12c: {  	s3 =	rddreg [dreg:$0x2];
	[bflag:$0x3] =	sbarrier.arrive $0xFFFF;
	s2 =	simm.s32 @!p0 $0x1C05  }
0x12d: {  	[timem:s3], [sflag:s2] =	dma.local @!p0 [hbm:s0], s1  }
0x12e: {  	s0 =	simm.s32 @!p0 $0x5  }
0x12f: {  	_ =	swait.ge @!p0 [sflag:s0], s1  }
0x130: {  	s1 =	ssub.s32 @!p0 $0x0, s1;
	[sflag:s0] =	ssyncset.done @!p0 $0x0  }
0x131: {  	[sflag:s0] =	ssyncadd.s32 @!p0 s1  }
0x132: {  	[bflag:$0x3] =	sbarrier.arrive $0xFFFF  }
0x133: {  	_ =	shalt  }

</sc_bundles>
